<compile_context>
chip_gen: v7x
topology: tpu7x:2x2x1
jax: 0.10.2.dev20260603
libtpu: 0.0.44.dev20260713+nightly
codegen_flags: <defaults>
</compile_context>

<pallas_src>
import functools

import jax
import jax.numpy as jnp
from jax import lax
from jax.experimental import pallas as pl
from jax.experimental.pallas import tpu as pltpu
from jax.experimental.pallas import tpu_sc as plsc

N_NODES = 10000
IN_CH = 128
HID_CH = 64
N_EDGES = 320000

NC = 2
NS = 16
NW = NC * NS
LANES = 16

EPT = N_EDGES // NW
CHUNK = 80
NCHUNK = EPT // CHUNK
N_PAD = 10240
RPT = N_PAD // NS


def _sc_mesh():
    return plsc.VectorSubcoreMesh(
        core_axis_name="c", subcore_axis_name="s", num_cores=NC,
        num_subcores=NS)


def _hist_body(dst_hbm, hist_hbm, dst_v, hist_v):
    cid = lax.axis_index("c")
    sid = lax.axis_index("s")
    wid = cid * NS + sid
    pltpu.sync_copy(dst_hbm.at[pl.ds(wid * EPT, EPT)], dst_v)

    zeros = jnp.zeros((LANES,), jnp.float32)

    def zero_step(i, _):
        hist_v[pl.ds(i * LANES, LANES)] = zeros
        return 0

    lax.fori_loop(0, N_NODES // LANES, zero_step, 0)

    ones = jnp.ones((LANES,), jnp.float32)

    def add_step(i, _):
        idx = dst_v[pl.ds(i * LANES, LANES)]
        plsc.addupdate_scatter(hist_v, [idx], ones)
        return 0

    lax.fori_loop(0, EPT // LANES, add_step, 0)
    pltpu.sync_copy(hist_v, hist_hbm.at[pl.ds(wid * N_NODES, N_NODES)])


def _degree_hists(dst32):
    k = pl.kernel(
        _hist_body,
        out_type=jax.ShapeDtypeStruct((NW * N_NODES,), jnp.float32),
        mesh=_sc_mesh(),
        scratch_types=[
            pltpu.VMEM((EPT,), jnp.int32),
            pltpu.VMEM((N_NODES,), jnp.float32),
        ],
        compiler_params=pltpu.CompilerParams(needs_layout_passes=False),
    )
    return k(dst32).reshape(NW, N_NODES)


def _scatter_body(hs_hbm, src_hbm, dst_hbm, zero_hbm, part_hbm,
                  acc, src_v, dst_v, rows0, rows1, gsem, ssem):
    cid = lax.axis_index("c")
    sid = lax.axis_index("s")
    wid = cid * NS + sid
    pltpu.sync_copy(src_hbm.at[wid], src_v)
    pltpu.sync_copy(dst_hbm.at[wid], dst_v)
    pltpu.sync_copy(zero_hbm, acc.at[pl.ds(sid * RPT, RPT)])
    plsc.subcore_barrier()

    del rows1, gsem, ssem

    def step(j, _):
        pltpu.sync_copy(hs_hbm.at[src_v.at[j]], rows0)
        pltpu.sync_copy(rows0, acc.at[dst_v.at[j]], add=True)
        return 0

    lax.fori_loop(0, NCHUNK, step, 0)
    plsc.subcore_barrier()
    pltpu.sync_copy(acc.at[pl.ds(sid * RPT, RPT)],
                    part_hbm.at[cid, pl.ds(sid * RPT, RPT)])


def _edge_scatter(hs, src3, dst3, width):
    k = pl.kernel(
        _scatter_body,
        out_type=jax.ShapeDtypeStruct((NC, N_PAD, width), jnp.float32),
        mesh=_sc_mesh(),
        scratch_types=[
            pltpu.VMEM_SHARED((N_PAD, width), jnp.float32),
            pltpu.VMEM((NCHUNK, CHUNK), jnp.int32),
            pltpu.VMEM((NCHUNK, CHUNK), jnp.int32),
            pltpu.VMEM((CHUNK, width), jnp.float32),
            pltpu.VMEM((CHUNK, width), jnp.float32),
            pltpu.SemaphoreType.DMA,
            pltpu.SemaphoreType.DMA,
        ],
        compiler_params=pltpu.CompilerParams(
            needs_layout_passes=False, use_tc_tiling_on_sc=False),
    )
    zero = jnp.zeros((RPT, width), jnp.float32)
    return k(hs, src3, dst3, zero)[:, :N_NODES]


ROWS_BLK = 1000
N_BLKS = N_NODES // ROWS_BLK


def _k1_body(x_ref, hist_ref, w_ref, hs_ref, dis_ref):
    deg = jnp.sum(hist_ref[...], axis=1) + 1.0
    dis = lax.rsqrt(deg)
    dis_ref[...] = dis[:, None]
    h = jnp.dot(x_ref[...], w_ref[...], preferred_element_type=jnp.float32)
    hs_ref[...] = h * dis[:, None]


def _k1(x, hists_t, W1):
    return pl.pallas_call(
        _k1_body,
        grid=(N_BLKS,),
        in_specs=[
            pl.BlockSpec((ROWS_BLK, IN_CH), lambda i: (i, 0)),
            pl.BlockSpec((ROWS_BLK, NW), lambda i: (i, 0)),
            pl.BlockSpec((IN_CH, HID_CH), lambda i: (0, 0)),
        ],
        out_specs=[
            pl.BlockSpec((ROWS_BLK, HID_CH), lambda i: (i, 0)),
            pl.BlockSpec((ROWS_BLK, 1), lambda i: (i, 0)),
        ],
        out_shape=[
            jax.ShapeDtypeStruct((N_NODES, HID_CH), jnp.float32),
            jax.ShapeDtypeStruct((N_NODES, 1), jnp.float32),
        ],
    )(x, hists_t, W1)


def _k3_body(p_ref, hs_ref, dis_ref, b_ref, w_ref, out_ref):
    dis = dis_ref[...]
    s = p_ref[0] + p_ref[1] + hs_ref[...]
    t = jnp.maximum(s * dis + b_ref[...], 0.0)
    h = jnp.dot(t, w_ref[...], preferred_element_type=jnp.float32)
    out_ref[...] = h * dis


def _k3(part, hs1, dis, b1, W2):
    return pl.pallas_call(
        _k3_body,
        grid=(N_BLKS,),
        in_specs=[
            pl.BlockSpec((NC, ROWS_BLK, HID_CH), lambda i: (0, i, 0)),
            pl.BlockSpec((ROWS_BLK, HID_CH), lambda i: (i, 0)),
            pl.BlockSpec((ROWS_BLK, 1), lambda i: (i, 0)),
            pl.BlockSpec((1, HID_CH), lambda i: (0, 0)),
            pl.BlockSpec((HID_CH, IN_CH), lambda i: (0, 0)),
        ],
        out_specs=pl.BlockSpec((ROWS_BLK, IN_CH), lambda i: (i, 0)),
        out_shape=jax.ShapeDtypeStruct((N_NODES, IN_CH), jnp.float32),
    )(part, hs1, dis, b1.reshape(1, HID_CH), W2)


def _k5_body(p_ref, hs_ref, dis_ref, b_ref, out_ref):
    s = p_ref[0] + p_ref[1] + hs_ref[...]
    out_ref[...] = jnp.tanh(s * dis_ref[...] + b_ref[...])


def _k5(part, hs2, dis, b2):
    return pl.pallas_call(
        _k5_body,
        grid=(N_BLKS,),
        in_specs=[
            pl.BlockSpec((NC, ROWS_BLK, IN_CH), lambda i: (0, i, 0)),
            pl.BlockSpec((ROWS_BLK, IN_CH), lambda i: (i, 0)),
            pl.BlockSpec((ROWS_BLK, 1), lambda i: (i, 0)),
            pl.BlockSpec((1, IN_CH), lambda i: (0, 0)),
        ],
        out_specs=pl.BlockSpec((ROWS_BLK, IN_CH), lambda i: (i, 0)),
        out_shape=jax.ShapeDtypeStruct((N_NODES, IN_CH), jnp.float32),
    )(part, hs2, dis, b2.reshape(1, IN_CH))


@jax.jit
def kernel(x, edge_index, W1, b1, W2, b2):
    src = edge_index[0].astype(jnp.int32)
    dst = edge_index[1].astype(jnp.int32)
    src3 = src.reshape(NW, NCHUNK, CHUNK)
    dst3 = dst.reshape(NW, NCHUNK, CHUNK)

    hists_t = _degree_hists(dst).T

    hs1, dis = _k1(x, hists_t, W1)
    part1 = _edge_scatter(hs1, src3, dst3, HID_CH)
    hs2 = _k3(part1, hs1, dis, b1, W2)
    part2 = _edge_scatter(hs2, src3, dst3, IN_CH)
    return _k5(part2, hs2, dis, b2)

# --- scband reference (transcript-rebuilt; emitter-appended) ---
"""Pipeline reference for scband-trigger-generator-120259084719 (READ-ONLY COPY).

The authoritative reference and input builder live on the scoring server;
editing this copy changes nothing except your own understanding.
"""

import jax, jax.numpy as jnp
import numpy as np

N_NODES = 10000
IN_CH = 128
HID_CH = 64


def gcn_conv(x, edge_index, W, b, num_nodes):
    # faithful PyG-style GCNConv: add self-loops, symmetric normalization,
    # linear transform, scatter-add aggregation, bias.
    src = edge_index[0]
    dst = edge_index[1]
    loop = jnp.arange(num_nodes, dtype=src.dtype)
    src = jnp.concatenate([src, loop])
    dst = jnp.concatenate([dst, loop])
    ones = jnp.ones(src.shape[0], dtype=x.dtype)
    deg = jnp.zeros((num_nodes,), dtype=x.dtype).at[dst].add(ones)
    deg_inv_sqrt = jnp.where(deg > 0, 1.0 / jnp.sqrt(deg), 0.0)
    norm = deg_inv_sqrt[src] * deg_inv_sqrt[dst]
    h = x @ W
    msg = h[src] * norm[:, None]
    out = jnp.zeros((num_nodes, h.shape[1]), dtype=x.dtype).at[dst].add(msg)
    return out + b


def setup_inputs(seed: int = 0) -> dict:
    key = jax.random.key(seed)
    k1, k2, k3, k4, k5, k6 = jax.random.split(key, 6)
    x = jax.random.normal(k1, (N_NODES, IN_CH), dtype=jnp.float32)
    edge_index = jax.random.randint(k2, (2, 320000), 0, N_NODES, dtype=jnp.int64)
    # xavier_uniform init for weights, zeros for bias (as in _initialize_weights)
    lim1 = float(np.sqrt(6.0 / (IN_CH + HID_CH)))
    W1 = jax.random.uniform(k3, (IN_CH, HID_CH), minval=-lim1, maxval=lim1, dtype=jnp.float32)
    b1 = jnp.zeros((HID_CH,), dtype=jnp.float32)
    lim2 = float(np.sqrt(6.0 / (HID_CH + IN_CH)))
    W2 = jax.random.uniform(k4, (HID_CH, IN_CH), minval=-lim2, maxval=lim2, dtype=jnp.float32)
    b2 = jnp.zeros((IN_CH,), dtype=jnp.float32)
    return {"x": x, "edge_index": edge_index, "W1": W1, "b1": b1, "W2": W2, "b2": b2}


def reference(x, edge_index, W1, b1, W2, b2):
    num_nodes = x.shape[0]
    h = gcn_conv(x, edge_index, W1, b1, num_nodes)
    h = jax.nn.relu(h)
    # dropout is identity in eval mode
    h = gcn_conv(h, edge_index, W2, b2, num_nodes)
    return jnp.tanh(h)

if __name__ == "__main__":
    import jax
    _d = setup_inputs()
    print(jax.jit(kernel)(*tuple(_d.values())))

</pallas_src>

<mosaic_0001>
#map = affine_map<(d0, d1) -> (0, 0)>
#map1 = affine_map<(d0, d1) -> (0, 0, 0)>
module attributes {stable_mosaic.version = 14 : i64} {
  func.func @_scatter_body(%arg0: i32, %arg1: i32, %arg2: memref<10000x64xf32, #tpu.memory_space<hbm>>, %arg3: memref<32x125x80xi32, #tpu.memory_space<hbm>>, %arg4: memref<32x125x80xi32, #tpu.memory_space<hbm>>, %arg5: memref<640x64xf32, #tpu.memory_space<hbm>>, %arg6: memref<2x10240x64xf32, #tpu.memory_space<hbm>>, %arg7: memref<10240x64xf32, #tpu.memory_space<vmem_shared>>, %arg8: memref<125x80xi32, #tpu.memory_space<vmem>>, %arg9: memref<125x80xi32, #tpu.memory_space<vmem>>, %arg10: memref<80x64xf32, #tpu.memory_space<vmem>>, %arg11: memref<80x64xf32, #tpu.memory_space<vmem>>, %arg12: memref<!tpu.dma_semaphore, #tpu.memory_space<semaphore_mem>>, %arg13: memref<!tpu.dma_semaphore, #tpu.memory_space<semaphore_mem>>) attributes {dimension_semantics = [#tpu.dimension_semantics<core_parallel>, #tpu.dimension_semantics<subcore_parallel>], iteration_bounds = array<i64: 2, 16>, scalar_prefetch = 0 : i64, scratch_operands = 7 : i64, tpu.core_type = #tpu.core_type<sc_vector_subcore>, window_params = [{transform_indices = #map}, {transform_indices = #map1}, {transform_indices = #map1}, {transform_indices = #map}, {transform_indices = #map1}]} {
    %mul3A = arith.constant 16 : i32
    %mul3A_0 = arith.muli %arg0, %mul3A : i32
    %add3A = arith.addi %mul3A_0, %arg1 : i32
    "tpu.region"() ({
      %run_scoped3A = tpu.sem_alloc : memref<!tpu.dma_semaphore, #tpu.memory_space<semaphore_mem>>
      %dma_start3A = arith.constant 0 : i32
      %dma_start3A_14 = arith.constant 0 : i32
      %dma_start3A_15 = tpu.memref_slice %arg3[%add3A, %dma_start3A, %dma_start3A_14] : memref<32x125x80xi32, #tpu.memory_space<hbm>> -> memref<1x125x80xi32, #tpu.memory_space<hbm>>
      %dma_start3A_16 = tpu.memref_squeeze %dma_start3A_15 : memref<1x125x80xi32, #tpu.memory_space<hbm>> -> memref<125x80xi32, #tpu.memory_space<hbm>>
      %dma_start3A_17 = arith.constant 0 : i32
      %dma_start3A_18 = arith.constant 0 : i32
      %dma_start3A_19 = tpu.memref_slice %arg3[%add3A, %dma_start3A_17, %dma_start3A_18] : memref<32x125x80xi32, #tpu.memory_space<hbm>> -> memref<1x125x80xi32, #tpu.memory_space<hbm>>
      %dma_start3A_20 = tpu.memref_squeeze %dma_start3A_19 : memref<1x125x80xi32, #tpu.memory_space<hbm>> -> memref<125x80xi32, #tpu.memory_space<hbm>>
      tpu.enqueue_dma source(%dma_start3A_20 : memref<125x80xi32, #tpu.memory_space<hbm>>) target(%arg8 : memref<125x80xi32, #tpu.memory_space<vmem>>) target_semaphore(%run_scoped3A : memref<!tpu.dma_semaphore, #tpu.memory_space<semaphore_mem>>)
      %dma_wait3A = arith.constant 0 : i32
      %dma_wait3A_21 = arith.constant 0 : i32
      %dma_wait3A_22 = tpu.memref_slice %arg3[%add3A, %dma_wait3A, %dma_wait3A_21] : memref<32x125x80xi32, #tpu.memory_space<hbm>> -> memref<1x125x80xi32, #tpu.memory_space<hbm>>
      %dma_wait3A_23 = tpu.memref_squeeze %dma_wait3A_22 : memref<1x125x80xi32, #tpu.memory_space<hbm>> -> memref<125x80xi32, #tpu.memory_space<hbm>>
      %dma_wait3A_24 = arith.constant 0 : i32
      %dma_wait3A_25 = arith.constant 0 : i32
      %dma_wait3A_26 = tpu.memref_slice %arg3[%add3A, %dma_wait3A_24, %dma_wait3A_25] : memref<32x125x80xi32, #tpu.memory_space<hbm>> -> memref<1x125x80xi32, #tpu.memory_space<hbm>>
      %dma_wait3A_27 = tpu.memref_squeeze %dma_wait3A_26 : memref<1x125x80xi32, #tpu.memory_space<hbm>> -> memref<125x80xi32, #tpu.memory_space<hbm>>
      tpu.wait_dma2 semaphore(%run_scoped3A : memref<!tpu.dma_semaphore, #tpu.memory_space<semaphore_mem>>) src(%dma_wait3A_27 : memref<125x80xi32, #tpu.memory_space<hbm>>) dst(%arg8 : memref<125x80xi32, #tpu.memory_space<vmem>>)
      tpu.yield
    }) : () -> ()
    "tpu.region"() ({
      %run_scoped3A = tpu.sem_alloc : memref<!tpu.dma_semaphore, #tpu.memory_space<semaphore_mem>>
      %dma_start3A = arith.constant 0 : i32
      %dma_start3A_14 = arith.constant 0 : i32
      %dma_start3A_15 = tpu.memref_slice %arg4[%add3A, %dma_start3A, %dma_start3A_14] : memref<32x125x80xi32, #tpu.memory_space<hbm>> -> memref<1x125x80xi32, #tpu.memory_space<hbm>>
      %dma_start3A_16 = tpu.memref_squeeze %dma_start3A_15 : memref<1x125x80xi32, #tpu.memory_space<hbm>> -> memref<125x80xi32, #tpu.memory_space<hbm>>
      %dma_start3A_17 = arith.constant 0 : i32
      %dma_start3A_18 = arith.constant 0 : i32
      %dma_start3A_19 = tpu.memref_slice %arg4[%add3A, %dma_start3A_17, %dma_start3A_18] : memref<32x125x80xi32, #tpu.memory_space<hbm>> -> memref<1x125x80xi32, #tpu.memory_space<hbm>>
      %dma_start3A_20 = tpu.memref_squeeze %dma_start3A_19 : memref<1x125x80xi32, #tpu.memory_space<hbm>> -> memref<125x80xi32, #tpu.memory_space<hbm>>
      tpu.enqueue_dma source(%dma_start3A_20 : memref<125x80xi32, #tpu.memory_space<hbm>>) target(%arg9 : memref<125x80xi32, #tpu.memory_space<vmem>>) target_semaphore(%run_scoped3A : memref<!tpu.dma_semaphore, #tpu.memory_space<semaphore_mem>>)
      %dma_wait3A = arith.constant 0 : i32
      %dma_wait3A_21 = arith.constant 0 : i32
      %dma_wait3A_22 = tpu.memref_slice %arg4[%add3A, %dma_wait3A, %dma_wait3A_21] : memref<32x125x80xi32, #tpu.memory_space<hbm>> -> memref<1x125x80xi32, #tpu.memory_space<hbm>>
      %dma_wait3A_23 = tpu.memref_squeeze %dma_wait3A_22 : memref<1x125x80xi32, #tpu.memory_space<hbm>> -> memref<125x80xi32, #tpu.memory_space<hbm>>
      %dma_wait3A_24 = arith.constant 0 : i32
      %dma_wait3A_25 = arith.constant 0 : i32
      %dma_wait3A_26 = tpu.memref_slice %arg4[%add3A, %dma_wait3A_24, %dma_wait3A_25] : memref<32x125x80xi32, #tpu.memory_space<hbm>> -> memref<1x125x80xi32, #tpu.memory_space<hbm>>
      %dma_wait3A_27 = tpu.memref_squeeze %dma_wait3A_26 : memref<1x125x80xi32, #tpu.memory_space<hbm>> -> memref<125x80xi32, #tpu.memory_space<hbm>>
      tpu.wait_dma2 semaphore(%run_scoped3A : memref<!tpu.dma_semaphore, #tpu.memory_space<semaphore_mem>>) src(%dma_wait3A_27 : memref<125x80xi32, #tpu.memory_space<hbm>>) dst(%arg9 : memref<125x80xi32, #tpu.memory_space<vmem>>)
      tpu.yield
    }) : () -> ()
    %mul3A_1 = arith.constant 640 : i32
    %mul3A_2 = arith.muli %arg1, %mul3A_1 : i32
    "tpu.region"() ({
      %run_scoped3A = tpu.sem_alloc : memref<!tpu.dma_semaphore, #tpu.memory_space<semaphore_mem>>
      %dma_start3A = arith.constant 0 : i32
      %dma_start3A_14 = tpu.memref_slice %arg7[%mul3A_2, %dma_start3A] : memref<10240x64xf32, #tpu.memory_space<vmem_shared>> -> memref<640x64xf32, #tpu.memory_space<vmem_shared>>
      tpu.enqueue_dma source(%arg5 : memref<640x64xf32, #tpu.memory_space<hbm>>) target(%dma_start3A_14 : memref<640x64xf32, #tpu.memory_space<vmem_shared>>) target_semaphore(%run_scoped3A : memref<!tpu.dma_semaphore, #tpu.memory_space<semaphore_mem>>)
      %dma_wait3A = arith.constant 0 : i32
      %dma_wait3A_15 = tpu.memref_slice %arg7[%mul3A_2, %dma_wait3A] : memref<10240x64xf32, #tpu.memory_space<vmem_shared>> -> memref<640x64xf32, #tpu.memory_space<vmem_shared>>
      tpu.wait_dma2 semaphore(%run_scoped3A : memref<!tpu.dma_semaphore, #tpu.memory_space<semaphore_mem>>) src(%arg5 : memref<640x64xf32, #tpu.memory_space<hbm>>) dst(%dma_wait3A_15 : memref<640x64xf32, #tpu.memory_space<vmem_shared>>)
      tpu.yield
    }) : () -> ()
    %barrier3A = arith.constant 0 : index
    tpu.barrier barrier_id(%barrier3A)
    %scan3A = arith.constant 0 : i32
    %scan3A_3 = arith.constant 0 : i32
    %scan3A_4 = arith.constant 125 : i32
    %scan3A_5 = arith.addi %scan3A_3, %scan3A_4 : i32
    %scan3A_6 = arith.constant 1 : i32
    %scan3A_7 = scf.for %scan3A_14 = %scan3A_3 to %scan3A_5 step %scan3A_6 iter_args(%scan3A_15 = %scan3A) -> (i32)  : i32 {
      "tpu.region"() ({
        %run_scoped3A = tpu.sem_alloc : memref<!tpu.dma_semaphore, #tpu.memory_space<semaphore_mem>>
        %dma_start3A = arith.constant 0 : i32
        %dma_start3A_17 = tpu.memref_slice %arg8[%scan3A_14, %dma_start3A] : memref<125x80xi32, #tpu.memory_space<vmem>> -> memref<1x80xi32, #tpu.memory_space<vmem>>
        %dma_start3A_18 = tpu.memref_squeeze %dma_start3A_17 : memref<1x80xi32, #tpu.memory_space<vmem>> -> memref<80xi32, #tpu.memory_space<vmem>>
        %dma_start3A_19 = arith.constant 0 : i32
        %dma_start3A_20 = arith.constant 0 : i32
        %dma_start3A_21 = tpu.memref_slice %arg2[%dma_start3A_19, %dma_start3A_20] : memref<10000x64xf32, #tpu.memory_space<hbm>> -> memref<10000x64xf32, #tpu.memory_space<hbm>>
        tpu.enqueue_indirect_dma source(%dma_start3A_21 : memref<10000x64xf32, #tpu.memory_space<hbm>>) target(%arg10 : memref<80x64xf32, #tpu.memory_space<vmem>>) offsets(%dma_start3A_18 : memref<80xi32, #tpu.memory_space<vmem>>) semaphore(%run_scoped3A : memref<!tpu.dma_semaphore, #tpu.memory_space<semaphore_mem>>)
        %dma_wait3A = arith.constant 0 : i32
        %dma_wait3A_22 = tpu.memref_slice %arg8[%scan3A_14, %dma_wait3A] : memref<125x80xi32, #tpu.memory_space<vmem>> -> memref<1x80xi32, #tpu.memory_space<vmem>>
        %dma_wait3A_23 = tpu.memref_squeeze %dma_wait3A_22 : memref<1x80xi32, #tpu.memory_space<vmem>> -> memref<80xi32, #tpu.memory_space<vmem>>
        %dma_wait3A_24 = arith.constant 0 : i32
        %dma_wait3A_25 = arith.constant 0 : i32
        %dma_wait3A_26 = tpu.memref_slice %arg2[%dma_wait3A_24, %dma_wait3A_25] : memref<10000x64xf32, #tpu.memory_space<hbm>> -> memref<10000x64xf32, #tpu.memory_space<hbm>>
        tpu.wait_indirect_dma semaphore(%run_scoped3A : memref<!tpu.dma_semaphore, #tpu.memory_space<semaphore_mem>>) src(%dma_wait3A_26 : memref<10000x64xf32, #tpu.memory_space<hbm>>) dst(%arg10 : memref<80x64xf32, #tpu.memory_space<vmem>>)
        tpu.yield
      }) : () -> ()
      "tpu.region"() ({
        %run_scoped3A = tpu.sem_alloc : memref<!tpu.dma_semaphore, #tpu.memory_space<semaphore_mem>>
        %dma_start3A = arith.constant 0 : i32
        %dma_start3A_17 = tpu.memref_slice %arg9[%scan3A_14, %dma_start3A] : memref<125x80xi32, #tpu.memory_space<vmem>> -> memref<1x80xi32, #tpu.memory_space<vmem>>
        %dma_start3A_18 = tpu.memref_squeeze %dma_start3A_17 : memref<1x80xi32, #tpu.memory_space<vmem>> -> memref<80xi32, #tpu.memory_space<vmem>>
        %dma_start3A_19 = arith.constant 0 : i32
        %dma_start3A_20 = arith.constant 0 : i32
        %dma_start3A_21 = tpu.memref_slice %arg7[%dma_start3A_19, %dma_start3A_20] : memref<10240x64xf32, #tpu.memory_space<vmem_shared>> -> memref<10240x64xf32, #tpu.memory_space<vmem_shared>>
        tpu.enqueue_indirect_dma source(%arg10 : memref<80x64xf32, #tpu.memory_space<vmem>>) target(%dma_start3A_21 : memref<10240x64xf32, #tpu.memory_space<vmem_shared>>) offsets(%dma_start3A_18 : memref<80xi32, #tpu.memory_space<vmem>>) semaphore(%run_scoped3A : memref<!tpu.dma_semaphore, #tpu.memory_space<semaphore_mem>>) {add = true}
        %dma_wait3A = arith.constant 0 : i32
        %dma_wait3A_22 = tpu.memref_slice %arg9[%scan3A_14, %dma_wait3A] : memref<125x80xi32, #tpu.memory_space<vmem>> -> memref<1x80xi32, #tpu.memory_space<vmem>>
        %dma_wait3A_23 = tpu.memref_squeeze %dma_wait3A_22 : memref<1x80xi32, #tpu.memory_space<vmem>> -> memref<80xi32, #tpu.memory_space<vmem>>
        %dma_wait3A_24 = arith.constant 0 : i32
        %dma_wait3A_25 = arith.constant 0 : i32
        %dma_wait3A_26 = tpu.memref_slice %arg7[%dma_wait3A_24, %dma_wait3A_25] : memref<10240x64xf32, #tpu.memory_space<vmem_shared>> -> memref<10240x64xf32, #tpu.memory_space<vmem_shared>>
        tpu.wait_indirect_dma semaphore(%run_scoped3A : memref<!tpu.dma_semaphore, #tpu.memory_space<semaphore_mem>>) src(%arg10 : memref<80x64xf32, #tpu.memory_space<vmem>>) dst(%dma_wait3A_26 : memref<10240x64xf32, #tpu.memory_space<vmem_shared>>)
        tpu.yield
      }) : () -> ()
      %scan3A_16 = arith.constant 0 : i32
      scf.yield %scan3A_16 : i32
    }
    %scan3A_8 = arith.constant 125 : i32
    %barrier3A_9 = arith.constant 0 : index
    tpu.barrier barrier_id(%barrier3A_9)
    %mul3A_10 = arith.constant 640 : i32
    %mul3A_11 = arith.muli %arg1, %mul3A_10 : i32
    %mul3A_12 = arith.constant 640 : i32
    %mul3A_13 = arith.muli %arg1, %mul3A_12 : i32
    "tpu.region"() ({
      %run_scoped3A = tpu.sem_alloc : memref<!tpu.dma_semaphore, #tpu.memory_space<semaphore_mem>>
      %dma_start3A = arith.constant 0 : i32
      %dma_start3A_14 = tpu.memref_slice %arg6[%arg0, %mul3A_13, %dma_start3A] : memref<2x10240x64xf32, #tpu.memory_space<hbm>> -> memref<1x640x64xf32, #tpu.memory_space<hbm>>
      %dma_start3A_15 = tpu.memref_squeeze %dma_start3A_14 : memref<1x640x64xf32, #tpu.memory_space<hbm>> -> memref<640x64xf32, #tpu.memory_space<hbm>>
      %dma_start3A_16 = arith.constant 0 : i32
      %dma_start3A_17 = tpu.memref_slice %arg7[%mul3A_11, %dma_start3A_16] : memref<10240x64xf32, #tpu.memory_space<vmem_shared>> -> memref<640x64xf32, #tpu.memory_space<vmem_shared>>
      tpu.enqueue_dma source(%dma_start3A_17 : memref<640x64xf32, #tpu.memory_space<vmem_shared>>) target(%dma_start3A_15 : memref<640x64xf32, #tpu.memory_space<hbm>>) target_semaphore(%run_scoped3A : memref<!tpu.dma_semaphore, #tpu.memory_space<semaphore_mem>>)
      %dma_wait3A = arith.constant 0 : i32
      %dma_wait3A_18 = tpu.memref_slice %arg6[%arg0, %mul3A_13, %dma_wait3A] : memref<2x10240x64xf32, #tpu.memory_space<hbm>> -> memref<1x640x64xf32, #tpu.memory_space<hbm>>
      %dma_wait3A_19 = tpu.memref_squeeze %dma_wait3A_18 : memref<1x640x64xf32, #tpu.memory_space<hbm>> -> memref<640x64xf32, #tpu.memory_space<hbm>>
      %dma_wait3A_20 = arith.constant 0 : i32
      %dma_wait3A_21 = tpu.memref_slice %arg7[%mul3A_11, %dma_wait3A_20] : memref<10240x64xf32, #tpu.memory_space<vmem_shared>> -> memref<640x64xf32, #tpu.memory_space<vmem_shared>>
      tpu.wait_dma2 semaphore(%run_scoped3A : memref<!tpu.dma_semaphore, #tpu.memory_space<semaphore_mem>>) src(%dma_wait3A_21 : memref<640x64xf32, #tpu.memory_space<vmem_shared>>) dst(%dma_wait3A_19 : memref<640x64xf32, #tpu.memory_space<hbm>>)
      tpu.yield
    }) : () -> ()
    return
  }
}

#map = affine_map<(d0, d1) -> (0)>
module attributes {stable_mosaic.version = 14 : i64} {
  func.func @_hist_body(%arg0: i32, %arg1: i32, %arg2: memref<320000xi32, #tpu.memory_space<hbm>>, %arg3: memref<320000xf32, #tpu.memory_space<hbm>>, %arg4: memref<10000xi32, #tpu.memory_space<vmem>>, %arg5: memref<10000xf32, #tpu.memory_space<vmem>>) attributes {dimension_semantics = [#tpu.dimension_semantics<core_parallel>, #tpu.dimension_semantics<subcore_parallel>], iteration_bounds = array<i64: 2, 16>, scalar_prefetch = 0 : i64, scratch_operands = 2 : i64, tpu.core_type = #tpu.core_type<sc_vector_subcore>, window_params = [{transform_indices = #map}, {transform_indices = #map}]} {
    %mul3A = arith.constant 16 : i32
    %mul3A_0 = arith.muli %arg0, %mul3A : i32
    %add3A = arith.addi %mul3A_0, %arg1 : i32
    %mul3A_1 = arith.constant 10000 : i32
    %mul3A_2 = arith.muli %add3A, %mul3A_1 : i32
    "tpu.region"() ({
      %run_scoped3A = tpu.sem_alloc : memref<!tpu.dma_semaphore, #tpu.memory_space<semaphore_mem>>
      %dma_start3A = tpu.memref_slice %arg2[%mul3A_2] : memref<320000xi32, #tpu.memory_space<hbm>> -> memref<10000xi32, #tpu.memory_space<hbm>>
      %dma_start3A_21 = tpu.memref_slice %arg2[%mul3A_2] : memref<320000xi32, #tpu.memory_space<hbm>> -> memref<10000xi32, #tpu.memory_space<hbm>>
      tpu.enqueue_dma source(%dma_start3A_21 : memref<10000xi32, #tpu.memory_space<hbm>>) target(%arg4 : memref<10000xi32, #tpu.memory_space<vmem>>) target_semaphore(%run_scoped3A : memref<!tpu.dma_semaphore, #tpu.memory_space<semaphore_mem>>)
      %dma_wait3A = tpu.memref_slice %arg2[%mul3A_2] : memref<320000xi32, #tpu.memory_space<hbm>> -> memref<10000xi32, #tpu.memory_space<hbm>>
      %dma_wait3A_22 = tpu.memref_slice %arg2[%mul3A_2] : memref<320000xi32, #tpu.memory_space<hbm>> -> memref<10000xi32, #tpu.memory_space<hbm>>
      tpu.wait_dma2 semaphore(%run_scoped3A : memref<!tpu.dma_semaphore, #tpu.memory_space<semaphore_mem>>) src(%dma_wait3A_22 : memref<10000xi32, #tpu.memory_space<hbm>>) dst(%arg4 : memref<10000xi32, #tpu.memory_space<vmem>>)
      tpu.yield
    }) : () -> ()
    %broadcast_in_dim3A = arith.constant 0.000000e+00 : f32
    %broadcast_in_dim3A_3 = vector.broadcast %broadcast_in_dim3A : f32 to vector<16xf32>
    %scan3A = arith.constant 0 : i32
    %scan3A_4 = arith.constant 0 : i32
    %scan3A_5 = arith.constant 625 : i32
    %scan3A_6 = arith.addi %scan3A_4, %scan3A_5 : i32
    %scan3A_7 = arith.constant 1 : i32
    %scan3A_8 = scf.for %scan3A_21 = %scan3A_4 to %scan3A_6 step %scan3A_7 iter_args(%scan3A_22 = %scan3A) -> (i32)  : i32 {
      %mul3A_23 = arith.constant 16 : i32
      %mul3A_24 = arith.muli %scan3A_21, %mul3A_23 : i32
      %swap3A = arith.index_cast %mul3A_24 : i32 to index
      %swap3A_25 = tpu.vector_load %arg5[%swap3A] {strides = array<i32>} : memref<10000xf32, #tpu.memory_space<vmem>>, vector<16xf32>,
      tpu.vector_store %arg5[%swap3A], %broadcast_in_dim3A_3 {strides = array<i32>} : memref<10000xf32, #tpu.memory_space<vmem>>, vector<16xf32>,
      %scan3A_26 = arith.constant 0 : i32
      scf.yield %scan3A_26 : i32
    }
    %scan3A_9 = arith.constant 625 : i32
    %broadcast_in_dim3A_10 = arith.constant 1.000000e+00 : f32
    %broadcast_in_dim3A_11 = vector.broadcast %broadcast_in_dim3A_10 : f32 to vector<16xf32>
    %scan3A_12 = arith.constant 0 : i32
    %scan3A_13 = arith.constant 0 : i32
    %scan3A_14 = arith.constant 625 : i32
    %scan3A_15 = arith.addi %scan3A_13, %scan3A_14 : i32
    %scan3A_16 = arith.constant 1 : i32
    %scan3A_17 = scf.for %scan3A_21 = %scan3A_13 to %scan3A_15 step %scan3A_16 iter_args(%scan3A_22 = %scan3A_12) -> (i32)  : i32 {
      %mul3A_23 = arith.constant 16 : i32
      %mul3A_24 = arith.muli %scan3A_21, %mul3A_23 : i32
      %get3A = arith.index_cast %mul3A_24 : i32 to index
      %get3A_25 = tpu.vector_load %arg4[%get3A] {strides = array<i32>} : memref<10000xi32, #tpu.memory_space<vmem>>, vector<16xi32>,
      tpu.vector_store_idx %arg5[%get3A_25], %broadcast_in_dim3A_11 {add = true} : memref<10000xf32, #tpu.memory_space<vmem>>[vector<16xi32>], vector<16xf32>,
      %scan3A_26 = arith.constant 0 : i32
      scf.yield %scan3A_26 : i32
    }
    %scan3A_18 = arith.constant 625 : i32
    %mul3A_19 = arith.constant 10000 : i32
    %mul3A_20 = arith.muli %add3A, %mul3A_19 : i32
    "tpu.region"() ({
      %run_scoped3A = tpu.sem_alloc : memref<!tpu.dma_semaphore, #tpu.memory_space<semaphore_mem>>
      %dma_start3A = tpu.memref_slice %arg3[%mul3A_20] : memref<320000xf32, #tpu.memory_space<hbm>> -> memref<10000xf32, #tpu.memory_space<hbm>>
      %dma_start3A_21 = tpu.memref_slice %arg3[%mul3A_20] : memref<320000xf32, #tpu.memory_space<hbm>> -> memref<10000xf32, #tpu.memory_space<hbm>>
      tpu.enqueue_dma source(%arg5 : memref<10000xf32, #tpu.memory_space<vmem>>) target(%dma_start3A_21 : memref<10000xf32, #tpu.memory_space<hbm>>) target_semaphore(%run_scoped3A : memref<!tpu.dma_semaphore, #tpu.memory_space<semaphore_mem>>)
      %dma_wait3A = tpu.memref_slice %arg3[%mul3A_20] : memref<320000xf32, #tpu.memory_space<hbm>> -> memref<10000xf32, #tpu.memory_space<hbm>>
      %dma_wait3A_22 = tpu.memref_slice %arg3[%mul3A_20] : memref<320000xf32, #tpu.memory_space<hbm>> -> memref<10000xf32, #tpu.memory_space<hbm>>
      tpu.wait_dma2 semaphore(%run_scoped3A : memref<!tpu.dma_semaphore, #tpu.memory_space<semaphore_mem>>) src(%arg5 : memref<10000xf32, #tpu.memory_space<vmem>>) dst(%dma_wait3A_22 : memref<10000xf32, #tpu.memory_space<hbm>>)
      tpu.yield
    }) : () -> ()
    return
  }
}

#map = affine_map<(d0, d1) -> (0, 0)>
#map1 = affine_map<(d0, d1) -> (0, 0, 0)>
module attributes {stable_mosaic.version = 14 : i64} {
  func.func @_scatter_body(%arg0: i32, %arg1: i32, %arg2: memref<10000x128xf32, #tpu.memory_space<hbm>>, %arg3: memref<32x125x80xi32, #tpu.memory_space<hbm>>, %arg4: memref<32x125x80xi32, #tpu.memory_space<hbm>>, %arg5: memref<640x128xf32, #tpu.memory_space<hbm>>, %arg6: memref<2x10240x128xf32, #tpu.memory_space<hbm>>, %arg7: memref<10240x128xf32, #tpu.memory_space<vmem_shared>>, %arg8: memref<125x80xi32, #tpu.memory_space<vmem>>, %arg9: memref<125x80xi32, #tpu.memory_space<vmem>>, %arg10: memref<80x128xf32, #tpu.memory_space<vmem>>, %arg11: memref<80x128xf32, #tpu.memory_space<vmem>>, %arg12: memref<!tpu.dma_semaphore, #tpu.memory_space<semaphore_mem>>, %arg13: memref<!tpu.dma_semaphore, #tpu.memory_space<semaphore_mem>>) attributes {dimension_semantics = [#tpu.dimension_semantics<core_parallel>, #tpu.dimension_semantics<subcore_parallel>], iteration_bounds = array<i64: 2, 16>, scalar_prefetch = 0 : i64, scratch_operands = 7 : i64, tpu.core_type = #tpu.core_type<sc_vector_subcore>, window_params = [{transform_indices = #map}, {transform_indices = #map1}, {transform_indices = #map1}, {transform_indices = #map}, {transform_indices = #map1}]} {
    %mul3A = arith.constant 16 : i32
    %mul3A_0 = arith.muli %arg0, %mul3A : i32
    %add3A = arith.addi %mul3A_0, %arg1 : i32
    "tpu.region"() ({
      %run_scoped3A = tpu.sem_alloc : memref<!tpu.dma_semaphore, #tpu.memory_space<semaphore_mem>>
      %dma_start3A = arith.constant 0 : i32
      %dma_start3A_14 = arith.constant 0 : i32
      %dma_start3A_15 = tpu.memref_slice %arg3[%add3A, %dma_start3A, %dma_start3A_14] : memref<32x125x80xi32, #tpu.memory_space<hbm>> -> memref<1x125x80xi32, #tpu.memory_space<hbm>>
      %dma_start3A_16 = tpu.memref_squeeze %dma_start3A_15 : memref<1x125x80xi32, #tpu.memory_space<hbm>> -> memref<125x80xi32, #tpu.memory_space<hbm>>
      %dma_start3A_17 = arith.constant 0 : i32
      %dma_start3A_18 = arith.constant 0 : i32
      %dma_start3A_19 = tpu.memref_slice %arg3[%add3A, %dma_start3A_17, %dma_start3A_18] : memref<32x125x80xi32, #tpu.memory_space<hbm>> -> memref<1x125x80xi32, #tpu.memory_space<hbm>>
      %dma_start3A_20 = tpu.memref_squeeze %dma_start3A_19 : memref<1x125x80xi32, #tpu.memory_space<hbm>> -> memref<125x80xi32, #tpu.memory_space<hbm>>
      tpu.enqueue_dma source(%dma_start3A_20 : memref<125x80xi32, #tpu.memory_space<hbm>>) target(%arg8 : memref<125x80xi32, #tpu.memory_space<vmem>>) target_semaphore(%run_scoped3A : memref<!tpu.dma_semaphore, #tpu.memory_space<semaphore_mem>>)
      %dma_wait3A = arith.constant 0 : i32
      %dma_wait3A_21 = arith.constant 0 : i32
      %dma_wait3A_22 = tpu.memref_slice %arg3[%add3A, %dma_wait3A, %dma_wait3A_21] : memref<32x125x80xi32, #tpu.memory_space<hbm>> -> memref<1x125x80xi32, #tpu.memory_space<hbm>>
      %dma_wait3A_23 = tpu.memref_squeeze %dma_wait3A_22 : memref<1x125x80xi32, #tpu.memory_space<hbm>> -> memref<125x80xi32, #tpu.memory_space<hbm>>
      %dma_wait3A_24 = arith.constant 0 : i32
      %dma_wait3A_25 = arith.constant 0 : i32
      %dma_wait3A_26 = tpu.memref_slice %arg3[%add3A, %dma_wait3A_24, %dma_wait3A_25] : memref<32x125x80xi32, #tpu.memory_space<hbm>> -> memref<1x125x80xi32, #tpu.memory_space<hbm>>
      %dma_wait3A_27 = tpu.memref_squeeze %dma_wait3A_26 : memref<1x125x80xi32, #tpu.memory_space<hbm>> -> memref<125x80xi32, #tpu.memory_space<hbm>>
      tpu.wait_dma2 semaphore(%run_scoped3A : memref<!tpu.dma_semaphore, #tpu.memory_space<semaphore_mem>>) src(%dma_wait3A_27 : memref<125x80xi32, #tpu.memory_space<hbm>>) dst(%arg8 : memref<125x80xi32, #tpu.memory_space<vmem>>)
      tpu.yield
    }) : () -> ()
    "tpu.region"() ({
      %run_scoped3A = tpu.sem_alloc : memref<!tpu.dma_semaphore, #tpu.memory_space<semaphore_mem>>
      %dma_start3A = arith.constant 0 : i32
      %dma_start3A_14 = arith.constant 0 : i32
      %dma_start3A_15 = tpu.memref_slice %arg4[%add3A, %dma_start3A, %dma_start3A_14] : memref<32x125x80xi32, #tpu.memory_space<hbm>> -> memref<1x125x80xi32, #tpu.memory_space<hbm>>
      %dma_start3A_16 = tpu.memref_squeeze %dma_start3A_15 : memref<1x125x80xi32, #tpu.memory_space<hbm>> -> memref<125x80xi32, #tpu.memory_space<hbm>>
      %dma_start3A_17 = arith.constant 0 : i32
      %dma_start3A_18 = arith.constant 0 : i32
      %dma_start3A_19 = tpu.memref_slice %arg4[%add3A, %dma_start3A_17, %dma_start3A_18] : memref<32x125x80xi32, #tpu.memory_space<hbm>> -> memref<1x125x80xi32, #tpu.memory_space<hbm>>
      %dma_start3A_20 = tpu.memref_squeeze %dma_start3A_19 : memref<1x125x80xi32, #tpu.memory_space<hbm>> -> memref<125x80xi32, #tpu.memory_space<hbm>>
      tpu.enqueue_dma source(%dma_start3A_20 : memref<125x80xi32, #tpu.memory_space<hbm>>) target(%arg9 : memref<125x80xi32, #tpu.memory_space<vmem>>) target_semaphore(%run_scoped3A : memref<!tpu.dma_semaphore, #tpu.memory_space<semaphore_mem>>)
      %dma_wait3A = arith.constant 0 : i32
      %dma_wait3A_21 = arith.constant 0 : i32
      %dma_wait3A_22 = tpu.memref_slice %arg4[%add3A, %dma_wait3A, %dma_wait3A_21] : memref<32x125x80xi32, #tpu.memory_space<hbm>> -> memref<1x125x80xi32, #tpu.memory_space<hbm>>
      %dma_wait3A_23 = tpu.memref_squeeze %dma_wait3A_22 : memref<1x125x80xi32, #tpu.memory_space<hbm>> -> memref<125x80xi32, #tpu.memory_space<hbm>>
      %dma_wait3A_24 = arith.constant 0 : i32
      %dma_wait3A_25 = arith.constant 0 : i32
      %dma_wait3A_26 = tpu.memref_slice %arg4[%add3A, %dma_wait3A_24, %dma_wait3A_25] : memref<32x125x80xi32, #tpu.memory_space<hbm>> -> memref<1x125x80xi32, #tpu.memory_space<hbm>>
      %dma_wait3A_27 = tpu.memref_squeeze %dma_wait3A_26 : memref<1x125x80xi32, #tpu.memory_space<hbm>> -> memref<125x80xi32, #tpu.memory_space<hbm>>
      tpu.wait_dma2 semaphore(%run_scoped3A : memref<!tpu.dma_semaphore, #tpu.memory_space<semaphore_mem>>) src(%dma_wait3A_27 : memref<125x80xi32, #tpu.memory_space<hbm>>) dst(%arg9 : memref<125x80xi32, #tpu.memory_space<vmem>>)
      tpu.yield
    }) : () -> ()
    %mul3A_1 = arith.constant 640 : i32
    %mul3A_2 = arith.muli %arg1, %mul3A_1 : i32
    "tpu.region"() ({
      %run_scoped3A = tpu.sem_alloc : memref<!tpu.dma_semaphore, #tpu.memory_space<semaphore_mem>>
      %dma_start3A = arith.constant 0 : i32
      %dma_start3A_14 = tpu.memref_slice %arg7[%mul3A_2, %dma_start3A] : memref<10240x128xf32, #tpu.memory_space<vmem_shared>> -> memref<640x128xf32, #tpu.memory_space<vmem_shared>>
      tpu.enqueue_dma source(%arg5 : memref<640x128xf32, #tpu.memory_space<hbm>>) target(%dma_start3A_14 : memref<640x128xf32, #tpu.memory_space<vmem_shared>>) target_semaphore(%run_scoped3A : memref<!tpu.dma_semaphore, #tpu.memory_space<semaphore_mem>>)
      %dma_wait3A = arith.constant 0 : i32
      %dma_wait3A_15 = tpu.memref_slice %arg7[%mul3A_2, %dma_wait3A] : memref<10240x128xf32, #tpu.memory_space<vmem_shared>> -> memref<640x128xf32, #tpu.memory_space<vmem_shared>>
      tpu.wait_dma2 semaphore(%run_scoped3A : memref<!tpu.dma_semaphore, #tpu.memory_space<semaphore_mem>>) src(%arg5 : memref<640x128xf32, #tpu.memory_space<hbm>>) dst(%dma_wait3A_15 : memref<640x128xf32, #tpu.memory_space<vmem_shared>>)
      tpu.yield
    }) : () -> ()
    %barrier3A = arith.constant 0 : index
    tpu.barrier barrier_id(%barrier3A)
    %scan3A = arith.constant 0 : i32
    %scan3A_3 = arith.constant 0 : i32
    %scan3A_4 = arith.constant 125 : i32
    %scan3A_5 = arith.addi %scan3A_3, %scan3A_4 : i32
    %scan3A_6 = arith.constant 1 : i32
    %scan3A_7 = scf.for %scan3A_14 = %scan3A_3 to %scan3A_5 step %scan3A_6 iter_args(%scan3A_15 = %scan3A) -> (i32)  : i32 {
      "tpu.region"() ({
        %run_scoped3A = tpu.sem_alloc : memref<!tpu.dma_semaphore, #tpu.memory_space<semaphore_mem>>
        %dma_start3A = arith.constant 0 : i32
        %dma_start3A_17 = tpu.memref_slice %arg8[%scan3A_14, %dma_start3A] : memref<125x80xi32, #tpu.memory_space<vmem>> -> memref<1x80xi32, #tpu.memory_space<vmem>>
        %dma_start3A_18 = tpu.memref_squeeze %dma_start3A_17 : memref<1x80xi32, #tpu.memory_space<vmem>> -> memref<80xi32, #tpu.memory_space<vmem>>
        %dma_start3A_19 = arith.constant 0 : i32
        %dma_start3A_20 = arith.constant 0 : i32
        %dma_start3A_21 = tpu.memref_slice %arg2[%dma_start3A_19, %dma_start3A_20] : memref<10000x128xf32, #tpu.memory_space<hbm>> -> memref<10000x128xf32, #tpu.memory_space<hbm>>
        tpu.enqueue_indirect_dma source(%dma_start3A_21 : memref<10000x128xf32, #tpu.memory_space<hbm>>) target(%arg10 : memref<80x128xf32, #tpu.memory_space<vmem>>) offsets(%dma_start3A_18 : memref<80xi32, #tpu.memory_space<vmem>>) semaphore(%run_scoped3A : memref<!tpu.dma_semaphore, #tpu.memory_space<semaphore_mem>>)
        %dma_wait3A = arith.constant 0 : i32
        %dma_wait3A_22 = tpu.memref_slice %arg8[%scan3A_14, %dma_wait3A] : memref<125x80xi32, #tpu.memory_space<vmem>> -> memref<1x80xi32, #tpu.memory_space<vmem>>
        %dma_wait3A_23 = tpu.memref_squeeze %dma_wait3A_22 : memref<1x80xi32, #tpu.memory_space<vmem>> -> memref<80xi32, #tpu.memory_space<vmem>>
        %dma_wait3A_24 = arith.constant 0 : i32
        %dma_wait3A_25 = arith.constant 0 : i32
        %dma_wait3A_26 = tpu.memref_slice %arg2[%dma_wait3A_24, %dma_wait3A_25] : memref<10000x128xf32, #tpu.memory_space<hbm>> -> memref<10000x128xf32, #tpu.memory_space<hbm>>
        tpu.wait_indirect_dma semaphore(%run_scoped3A : memref<!tpu.dma_semaphore, #tpu.memory_space<semaphore_mem>>) src(%dma_wait3A_26 : memref<10000x128xf32, #tpu.memory_space<hbm>>) dst(%arg10 : memref<80x128xf32, #tpu.memory_space<vmem>>)
        tpu.yield
      }) : () -> ()
      "tpu.region"() ({
        %run_scoped3A = tpu.sem_alloc : memref<!tpu.dma_semaphore, #tpu.memory_space<semaphore_mem>>
        %dma_start3A = arith.constant 0 : i32
        %dma_start3A_17 = tpu.memref_slice %arg9[%scan3A_14, %dma_start3A] : memref<125x80xi32, #tpu.memory_space<vmem>> -> memref<1x80xi32, #tpu.memory_space<vmem>>
        %dma_start3A_18 = tpu.memref_squeeze %dma_start3A_17 : memref<1x80xi32, #tpu.memory_space<vmem>> -> memref<80xi32, #tpu.memory_space<vmem>>
        %dma_start3A_19 = arith.constant 0 : i32
        %dma_start3A_20 = arith.constant 0 : i32
        %dma_start3A_21 = tpu.memref_slice %arg7[%dma_start3A_19, %dma_start3A_20] : memref<10240x128xf32, #tpu.memory_space<vmem_shared>> -> memref<10240x128xf32, #tpu.memory_space<vmem_shared>>
        tpu.enqueue_indirect_dma source(%arg10 : memref<80x128xf32, #tpu.memory_space<vmem>>) target(%dma_start3A_21 : memref<10240x128xf32, #tpu.memory_space<vmem_shared>>) offsets(%dma_start3A_18 : memref<80xi32, #tpu.memory_space<vmem>>) semaphore(%run_scoped3A : memref<!tpu.dma_semaphore, #tpu.memory_space<semaphore_mem>>) {add = true}
        %dma_wait3A = arith.constant 0 : i32
        %dma_wait3A_22 = tpu.memref_slice %arg9[%scan3A_14, %dma_wait3A] : memref<125x80xi32, #tpu.memory_space<vmem>> -> memref<1x80xi32, #tpu.memory_space<vmem>>
        %dma_wait3A_23 = tpu.memref_squeeze %dma_wait3A_22 : memref<1x80xi32, #tpu.memory_space<vmem>> -> memref<80xi32, #tpu.memory_space<vmem>>
        %dma_wait3A_24 = arith.constant 0 : i32
        %dma_wait3A_25 = arith.constant 0 : i32
        %dma_wait3A_26 = tpu.memref_slice %arg7[%dma_wait3A_24, %dma_wait3A_25] : memref<10240x128xf32, #tpu.memory_space<vmem_shared>> -> memref<10240x128xf32, #tpu.memory_space<vmem_shared>>
        tpu.wait_indirect_dma semaphore(%run_scoped3A : memref<!tpu.dma_semaphore, #tpu.memory_space<semaphore_mem>>) src(%arg10 : memref<80x128xf32, #tpu.memory_space<vmem>>) dst(%dma_wait3A_26 : memref<10240x128xf32, #tpu.memory_space<vmem_shared>>)
        tpu.yield
      }) : () -> ()
      %scan3A_16 = arith.constant 0 : i32
      scf.yield %scan3A_16 : i32
    }
    %scan3A_8 = arith.constant 125 : i32
    %barrier3A_9 = arith.constant 0 : index
    tpu.barrier barrier_id(%barrier3A_9)
    %mul3A_10 = arith.constant 640 : i32
    %mul3A_11 = arith.muli %arg1, %mul3A_10 : i32
    %mul3A_12 = arith.constant 640 : i32
    %mul3A_13 = arith.muli %arg1, %mul3A_12 : i32
    "tpu.region"() ({
      %run_scoped3A = tpu.sem_alloc : memref<!tpu.dma_semaphore, #tpu.memory_space<semaphore_mem>>
      %dma_start3A = arith.constant 0 : i32
      %dma_start3A_14 = tpu.memref_slice %arg6[%arg0, %mul3A_13, %dma_start3A] : memref<2x10240x128xf32, #tpu.memory_space<hbm>> -> memref<1x640x128xf32, #tpu.memory_space<hbm>>
      %dma_start3A_15 = tpu.memref_squeeze %dma_start3A_14 : memref<1x640x128xf32, #tpu.memory_space<hbm>> -> memref<640x128xf32, #tpu.memory_space<hbm>>
      %dma_start3A_16 = arith.constant 0 : i32
      %dma_start3A_17 = tpu.memref_slice %arg7[%mul3A_11, %dma_start3A_16] : memref<10240x128xf32, #tpu.memory_space<vmem_shared>> -> memref<640x128xf32, #tpu.memory_space<vmem_shared>>
      tpu.enqueue_dma source(%dma_start3A_17 : memref<640x128xf32, #tpu.memory_space<vmem_shared>>) target(%dma_start3A_15 : memref<640x128xf32, #tpu.memory_space<hbm>>) target_semaphore(%run_scoped3A : memref<!tpu.dma_semaphore, #tpu.memory_space<semaphore_mem>>)
      %dma_wait3A = arith.constant 0 : i32
      %dma_wait3A_18 = tpu.memref_slice %arg6[%arg0, %mul3A_13, %dma_wait3A] : memref<2x10240x128xf32, #tpu.memory_space<hbm>> -> memref<1x640x128xf32, #tpu.memory_space<hbm>>
      %dma_wait3A_19 = tpu.memref_squeeze %dma_wait3A_18 : memref<1x640x128xf32, #tpu.memory_space<hbm>> -> memref<640x128xf32, #tpu.memory_space<hbm>>
      %dma_wait3A_20 = arith.constant 0 : i32
      %dma_wait3A_21 = tpu.memref_slice %arg7[%mul3A_11, %dma_wait3A_20] : memref<10240x128xf32, #tpu.memory_space<vmem_shared>> -> memref<640x128xf32, #tpu.memory_space<vmem_shared>>
      tpu.wait_dma2 semaphore(%run_scoped3A : memref<!tpu.dma_semaphore, #tpu.memory_space<semaphore_mem>>) src(%dma_wait3A_21 : memref<640x128xf32, #tpu.memory_space<vmem_shared>>) dst(%dma_wait3A_19 : memref<640x128xf32, #tpu.memory_space<hbm>>)
      tpu.yield
    }) : () -> ()
    return
  }
}

module attributes {stable_mosaic.version = 14 : i64} {
  func.func @_k1_body(%arg0: i32, %arg1: memref<1000x128xf32, #tpu.memory_space<vmem>>, %arg2: memref<1000x32xf32, #tpu.memory_space<vmem>>, %arg3: memref<128x64xf32, #tpu.memory_space<vmem>>, %arg4: memref<1000x64xf32, #tpu.memory_space<vmem>>, %arg5: memref<1000x1xf32, #tpu.memory_space<vmem>>) attributes {dimension_semantics = [#tpu.dimension_semantics<arbitrary>], iteration_bounds = array<i64: 10>, scalar_prefetch = 0 : i64, scratch_operands = 0 : i64, tpu.core_type = #tpu.core_type<tc>, window_params = [{transform_indices = @transform_0, window_bounds = array<i64: 1000, 128>}, {transform_indices = @transform_1, window_bounds = array<i64: 1000, 32>}, {pipeline_mode = #tpu.pipeline_mode<synchronous>, transform_indices = @transform_2, window_bounds = array<i64: 128, 64>}, {transform_indices = @transform_3, window_bounds = array<i64: 1000, 64>}, {transform_indices = @transform_4, window_bounds = array<i64: 1000, 1>}]} {
    %get3A = arith.constant 0 : index
    %get3A_0 = arith.constant 0 : index
    %get3A_1 = vector.load %arg2[%get3A, %get3A_0] : memref<1000x32xf32, #tpu.memory_space<vmem>>, vector<1000x32xf32>
    %reduce_sum3A = arith.constant dense<0.000000e+00> : vector<1000xf32>
    %reduce_sum3A_2 = vector.multi_reduction <add>, %get3A_1, %reduce_sum3A [1] : vector<1000x32xf32> to vector<1000xf32>
    %add3A = arith.constant 1.000000e+00 : f32
    %add3A_3 = vector.broadcast %add3A : f32 to vector<1000xf32>
    %add3A_4 = arith.addf %reduce_sum3A_2, %add3A_3 : vector<1000xf32>
    %rsqrt3A = math.rsqrt %add3A_4 : vector<1000xf32>
    %broadcast_in_dim3A = vector.shape_cast %rsqrt3A : vector<1000xf32> to vector<1000x1xf32>
    %swap3A = arith.constant 0 : index
    %swap3A_5 = arith.constant 0 : index
    %swap3A_6 = vector.load %arg5[%swap3A, %swap3A_5] : memref<1000x1xf32, #tpu.memory_space<vmem>>, vector<1000x1xf32>
    tpu.vector_store %arg5[%swap3A, %swap3A_5], %broadcast_in_dim3A {strides = array<i32>} : memref<1000x1xf32, #tpu.memory_space<vmem>>, vector<1000x1xf32>,
    %get3A_7 = arith.constant 0 : index
    %get3A_8 = arith.constant 0 : index
    %get3A_9 = vector.load %arg1[%get3A_7, %get3A_8] : memref<1000x128xf32, #tpu.memory_space<vmem>>, vector<1000x128xf32>
    %get3A_10 = arith.constant 0 : index
    %get3A_11 = arith.constant 0 : index
    %get3A_12 = vector.load %arg3[%get3A_10, %get3A_11] : memref<128x64xf32, #tpu.memory_space<vmem>>, vector<128x64xf32>
    %dot_general3A = arith.constant dense<0.000000e+00> : vector<1000x64xf32>
    %dot_general3A_13 = tpu.matmul %get3A_9, %get3A_12, %dot_general3A {dimension_numbers = #tpu.dot_dimension_numbers<[1], [0], [0], [1], [0, 0, 1, 1], [], []>, transpose_lhs_hint = false} : vector<1000x128xf32>, vector<128x64xf32>, vector<1000x64xf32> -> vector<1000x64xf32>
    %broadcast_in_dim3A_14 = vector.shape_cast %rsqrt3A : vector<1000xf32> to vector<1000x1xf32>
    %mul3A = vector.broadcast %broadcast_in_dim3A_14 : vector<1000x1xf32> to vector<1000x64xf32>
    %mul3A_15 = arith.mulf %dot_general3A_13, %mul3A : vector<1000x64xf32>
    %swap3A_16 = arith.constant 0 : index
    %swap3A_17 = arith.constant 0 : index
    %swap3A_18 = vector.load %arg4[%swap3A_16, %swap3A_17] : memref<1000x64xf32, #tpu.memory_space<vmem>>, vector<1000x64xf32>
    tpu.vector_store %arg4[%swap3A_16, %swap3A_17], %mul3A_15 {strides = array<i32>} : memref<1000x64xf32, #tpu.memory_space<vmem>>, vector<1000x64xf32>,
    return
  }
  func.func @transform_0(%arg0: i32) -> (i32, i32) {
    %c0_i32 = arith.constant 0 : i32
    %c0_i32_0 = arith.constant 0 : i32
    return %arg0, %c0_i32 : i32, i32
  }
  func.func @transform_1(%arg0: i32) -> (i32, i32) {
    %c0_i32 = arith.constant 0 : i32
    %c0_i32_0 = arith.constant 0 : i32
    return %arg0, %c0_i32 : i32, i32
  }
  func.func @transform_2(%arg0: i32) -> (i32, i32) {
    %c0_i32 = arith.constant 0 : i32
    %c0_i32_0 = arith.constant 0 : i32
    %c0_i32_1 = arith.constant 0 : i32
    return %c0_i32, %c0_i32_0 : i32, i32
  }
  func.func @transform_3(%arg0: i32) -> (i32, i32) {
    %c0_i32 = arith.constant 0 : i32
    %c0_i32_0 = arith.constant 0 : i32
    return %arg0, %c0_i32 : i32, i32
  }
  func.func @transform_4(%arg0: i32) -> (i32, i32) {
    %c0_i32 = arith.constant 0 : i32
    %c0_i32_0 = arith.constant 0 : i32
    return %arg0, %c0_i32 : i32, i32
  }
}

module attributes {stable_mosaic.version = 14 : i64} {
  func.func @_k3_body(%arg0: i32, %arg1: memref<2x1000x64xf32, #tpu.memory_space<vmem>>, %arg2: memref<1000x64xf32, #tpu.memory_space<vmem>>, %arg3: memref<1000x1xf32, #tpu.memory_space<vmem>>, %arg4: memref<1x64xf32, #tpu.memory_space<vmem>>, %arg5: memref<64x128xf32, #tpu.memory_space<vmem>>, %arg6: memref<1000x128xf32, #tpu.memory_space<vmem>>) attributes {dimension_semantics = [#tpu.dimension_semantics<arbitrary>], iteration_bounds = array<i64: 10>, scalar_prefetch = 0 : i64, scratch_operands = 0 : i64, tpu.core_type = #tpu.core_type<tc>, window_params = [{transform_indices = @transform_0, window_bounds = array<i64: 2, 1000, 64>}, {transform_indices = @transform_1, window_bounds = array<i64: 1000, 64>}, {transform_indices = @transform_2, window_bounds = array<i64: 1000, 1>}, {pipeline_mode = #tpu.pipeline_mode<synchronous>, transform_indices = @transform_3, window_bounds = array<i64: 1, 64>}, {pipeline_mode = #tpu.pipeline_mode<synchronous>, transform_indices = @transform_4, window_bounds = array<i64: 64, 128>}, {transform_indices = @transform_5, window_bounds = array<i64: 1000, 128>}]} {
    %get3A = arith.constant 0 : index
    %get3A_0 = arith.constant 0 : index
    %get3A_1 = vector.load %arg3[%get3A, %get3A_0] : memref<1000x1xf32, #tpu.memory_space<vmem>>, vector<1000x1xf32>
    %get3A_2 = arith.constant 0 : index
    %get3A_3 = arith.constant 0 : index
    %get3A_4 = arith.constant 0 : index
    %get3A_5 = vector.load %arg1[%get3A_2, %get3A_3, %get3A_4] : memref<2x1000x64xf32, #tpu.memory_space<vmem>>, vector<1x1000x64xf32>
    %get3A_6 = vector.shape_cast %get3A_5 : vector<1x1000x64xf32> to vector<1000x64xf32>
    %get3A_7 = arith.constant 1 : index
    %get3A_8 = arith.constant 0 : index
    %get3A_9 = arith.constant 0 : index
    %get3A_10 = vector.load %arg1[%get3A_7, %get3A_8, %get3A_9] : memref<2x1000x64xf32, #tpu.memory_space<vmem>>, vector<1x1000x64xf32>
    %get3A_11 = vector.shape_cast %get3A_10 : vector<1x1000x64xf32> to vector<1000x64xf32>
    %add3A = arith.addf %get3A_6, %get3A_11 : vector<1000x64xf32>
    %get3A_12 = arith.constant 0 : index
    %get3A_13 = arith.constant 0 : index
    %get3A_14 = vector.load %arg2[%get3A_12, %get3A_13] : memref<1000x64xf32, #tpu.memory_space<vmem>>, vector<1000x64xf32>
    %add3A_15 = arith.addf %add3A, %get3A_14 : vector<1000x64xf32>
    %mul3A = vector.broadcast %get3A_1 : vector<1000x1xf32> to vector<1000x64xf32>
    %mul3A_16 = arith.mulf %add3A_15, %mul3A : vector<1000x64xf32>
    %get3A_17 = arith.constant 0 : index
    %get3A_18 = arith.constant 0 : index
    %get3A_19 = vector.load %arg4[%get3A_17, %get3A_18] : memref<1x64xf32, #tpu.memory_space<vmem>>, vector<1x64xf32>
    %add3A_20 = vector.broadcast %get3A_19 : vector<1x64xf32> to vector<1000x64xf32>
    %add3A_21 = arith.addf %mul3A_16, %add3A_20 : vector<1000x64xf32>
    %max3A = arith.constant 0.000000e+00 : f32
    %max3A_22 = vector.broadcast %max3A : f32 to vector<1000x64xf32>
    %max3A_23 = arith.maximumf %add3A_21, %max3A_22 : vector<1000x64xf32>
    %get3A_24 = arith.constant 0 : index
    %get3A_25 = arith.constant 0 : index
    %get3A_26 = vector.load %arg5[%get3A_24, %get3A_25] : memref<64x128xf32, #tpu.memory_space<vmem>>, vector<64x128xf32>
    %dot_general3A = arith.constant dense<0.000000e+00> : vector<1000x128xf32>
    %dot_general3A_27 = tpu.matmul %max3A_23, %get3A_26, %dot_general3A {dimension_numbers = #tpu.dot_dimension_numbers<[1], [0], [0], [1], [0, 0, 1, 1], [], []>, transpose_lhs_hint = false} : vector<1000x64xf32>, vector<64x128xf32>, vector<1000x128xf32> -> vector<1000x128xf32>
    %mul3A_28 = vector.broadcast %get3A_1 : vector<1000x1xf32> to vector<1000x128xf32>
    %mul3A_29 = arith.mulf %dot_general3A_27, %mul3A_28 : vector<1000x128xf32>
    %swap3A = arith.constant 0 : index
    %swap3A_30 = arith.constant 0 : index
    %swap3A_31 = vector.load %arg6[%swap3A, %swap3A_30] : memref<1000x128xf32, #tpu.memory_space<vmem>>, vector<1000x128xf32>
    tpu.vector_store %arg6[%swap3A, %swap3A_30], %mul3A_29 {strides = array<i32>} : memref<1000x128xf32, #tpu.memory_space<vmem>>, vector<1000x128xf32>,
    return
  }
  func.func @transform_0(%arg0: i32) -> (i32, i32, i32) {
    %c0_i32 = arith.constant 0 : i32
    %c0_i32_0 = arith.constant 0 : i32
    %c0_i32_1 = arith.constant 0 : i32
    return %c0_i32, %arg0, %c0_i32_0 : i32, i32, i32
  }
  func.func @transform_1(%arg0: i32) -> (i32, i32) {
    %c0_i32 = arith.constant 0 : i32
    %c0_i32_0 = arith.constant 0 : i32
    return %arg0, %c0_i32 : i32, i32
  }
  func.func @transform_2(%arg0: i32) -> (i32, i32) {
    %c0_i32 = arith.constant 0 : i32
    %c0_i32_0 = arith.constant 0 : i32
    return %arg0, %c0_i32 : i32, i32
  }
  func.func @transform_3(%arg0: i32) -> (i32, i32) {
    %c0_i32 = arith.constant 0 : i32
    %c0_i32_0 = arith.constant 0 : i32
    %c0_i32_1 = arith.constant 0 : i32
    return %c0_i32, %c0_i32_0 : i32, i32
  }
  func.func @transform_4(%arg0: i32) -> (i32, i32) {
    %c0_i32 = arith.constant 0 : i32
    %c0_i32_0 = arith.constant 0 : i32
    %c0_i32_1 = arith.constant 0 : i32
    return %c0_i32, %c0_i32_0 : i32, i32
  }
  func.func @transform_5(%arg0: i32) -> (i32, i32) {
    %c0_i32 = arith.constant 0 : i32
    %c0_i32_0 = arith.constant 0 : i32
    return %arg0, %c0_i32 : i32, i32
  }
}

module attributes {stable_mosaic.version = 14 : i64} {
  func.func @_k5_body(%arg0: i32, %arg1: memref<2x1000x128xf32, #tpu.memory_space<vmem>>, %arg2: memref<1000x128xf32, #tpu.memory_space<vmem>>, %arg3: memref<1000x1xf32, #tpu.memory_space<vmem>>, %arg4: memref<1x128xf32, #tpu.memory_space<vmem>>, %arg5: memref<1000x128xf32, #tpu.memory_space<vmem>>) attributes {dimension_semantics = [#tpu.dimension_semantics<arbitrary>], iteration_bounds = array<i64: 10>, scalar_prefetch = 0 : i64, scratch_operands = 0 : i64, tpu.core_type = #tpu.core_type<tc>, window_params = [{transform_indices = @transform_0, window_bounds = array<i64: 2, 1000, 128>}, {transform_indices = @transform_1, window_bounds = array<i64: 1000, 128>}, {transform_indices = @transform_2, window_bounds = array<i64: 1000, 1>}, {pipeline_mode = #tpu.pipeline_mode<synchronous>, transform_indices = @transform_3, window_bounds = array<i64: 1, 128>}, {transform_indices = @transform_4, window_bounds = array<i64: 1000, 128>}]} {
    %get3A = arith.constant 0 : index
    %get3A_0 = arith.constant 0 : index
    %get3A_1 = arith.constant 0 : index
    %get3A_2 = vector.load %arg1[%get3A, %get3A_0, %get3A_1] : memref<2x1000x128xf32, #tpu.memory_space<vmem>>, vector<1x1000x128xf32>
    %get3A_3 = vector.shape_cast %get3A_2 : vector<1x1000x128xf32> to vector<1000x128xf32>
    %get3A_4 = arith.constant 1 : index
    %get3A_5 = arith.constant 0 : index
    %get3A_6 = arith.constant 0 : index
    %get3A_7 = vector.load %arg1[%get3A_4, %get3A_5, %get3A_6] : memref<2x1000x128xf32, #tpu.memory_space<vmem>>, vector<1x1000x128xf32>
    %get3A_8 = vector.shape_cast %get3A_7 : vector<1x1000x128xf32> to vector<1000x128xf32>
    %add3A = arith.addf %get3A_3, %get3A_8 : vector<1000x128xf32>
    %get3A_9 = arith.constant 0 : index
    %get3A_10 = arith.constant 0 : index
    %get3A_11 = vector.load %arg2[%get3A_9, %get3A_10] : memref<1000x128xf32, #tpu.memory_space<vmem>>, vector<1000x128xf32>
    %add3A_12 = arith.addf %add3A, %get3A_11 : vector<1000x128xf32>
    %get3A_13 = arith.constant 0 : index
    %get3A_14 = arith.constant 0 : index
    %get3A_15 = vector.load %arg3[%get3A_13, %get3A_14] : memref<1000x1xf32, #tpu.memory_space<vmem>>, vector<1000x1xf32>
    %mul3A = vector.broadcast %get3A_15 : vector<1000x1xf32> to vector<1000x128xf32>
    %mul3A_16 = arith.mulf %add3A_12, %mul3A : vector<1000x128xf32>
    %get3A_17 = arith.constant 0 : index
    %get3A_18 = arith.constant 0 : index
    %get3A_19 = vector.load %arg4[%get3A_17, %get3A_18] : memref<1x128xf32, #tpu.memory_space<vmem>>, vector<1x128xf32>
    %add3A_20 = vector.broadcast %get3A_19 : vector<1x128xf32> to vector<1000x128xf32>
    %add3A_21 = arith.addf %mul3A_16, %add3A_20 : vector<1000x128xf32>
    %tanh3A = math.tanh %add3A_21 : vector<1000x128xf32>
    %swap3A = arith.constant 0 : index
    %swap3A_22 = arith.constant 0 : index
    %swap3A_23 = vector.load %arg5[%swap3A, %swap3A_22] : memref<1000x128xf32, #tpu.memory_space<vmem>>, vector<1000x128xf32>
    tpu.vector_store %arg5[%swap3A, %swap3A_22], %tanh3A {strides = array<i32>} : memref<1000x128xf32, #tpu.memory_space<vmem>>, vector<1000x128xf32>,
    return
  }
  func.func @transform_0(%arg0: i32) -> (i32, i32, i32) {
    %c0_i32 = arith.constant 0 : i32
    %c0_i32_0 = arith.constant 0 : i32
    %c0_i32_1 = arith.constant 0 : i32
    return %c0_i32, %arg0, %c0_i32_0 : i32, i32, i32
  }
  func.func @transform_1(%arg0: i32) -> (i32, i32) {
    %c0_i32 = arith.constant 0 : i32
    %c0_i32_0 = arith.constant 0 : i32
    return %arg0, %c0_i32 : i32, i32
  }
  func.func @transform_2(%arg0: i32) -> (i32, i32) {
    %c0_i32 = arith.constant 0 : i32
    %c0_i32_0 = arith.constant 0 : i32
    return %arg0, %c0_i32 : i32, i32
  }
  func.func @transform_3(%arg0: i32) -> (i32, i32) {
    %c0_i32 = arith.constant 0 : i32
    %c0_i32_0 = arith.constant 0 : i32
    %c0_i32_1 = arith.constant 0 : i32
    return %c0_i32, %c0_i32_0 : i32, i32
  }
  func.func @transform_4(%arg0: i32) -> (i32, i32) {
    %c0_i32 = arith.constant 0 : i32
    %c0_i32_0 = arith.constant 0 : i32
    return %arg0, %c0_i32 : i32, i32
  }
}

</mosaic_0001>

<sc_bundles>
// kernel: kernel.11.cloned.1.call-start
scs
__scs_entry_jumppad:
0x0: {  	(pc) =	sbr.rel $0x88, $3  }
0x1: {  	(tag) =	ssettag $0x0;
	lr =	simm.s32 $0x1  }
0x2: {  	[smem:$0x3F9B] =	sst lr;
	_ =	strace $0xD0000000  }
0x3: {  	_ = 	snop  }
0x4: {  	_ = 	snop  }
0x5: {  	_ = 	snop  }
0x6: {  	_ = 	snop  }
0x7: {  	_ = 	snop  }
__scs_overlays_trampoline_lowered:
0x8: {  	[smem:$0x3FAA] =	sst s0  }
0x9: {  	[smem:$0x3FAB] =	sst s1  }
0xa: {  	[smem:$0x3FAC] =	sst s2  }
0xb: {  	[smem:$0x3FAD] =	sst s3  }
0xc: {  	[smem:$0x3FAE] =	sst s4  }
0xd: {  	[smem:$0x3FAF] =	sst s5  }
0xe: {  	[smem:$0x3FB0] =	sst s6  }
0xf: {  	[smem:$0x3FB1] =	sst s7  }
0x10: {  	[smem:$0x3FB2] =	sst s8  }
0x11: {  	[smem:$0x3FB3] =	sst s9;
	s0 =	simm.s32 @!p0 $0x0  }
0x12: {  	s1 =	sld [smem:$0x3F99];
	s0 =	simm.s32 @p0 $0x1  }
0x13: {  	[smem:$0x3FB4] =	sst s0;
	s0 =	simm.s32 @!p1 $0x0  }
0x14: {  	s2 =	sld [smem:$0x3F98];
	s0 =	simm.s32 @p1 $0x1  }
0x15: {  	[smem:$0x3FB5] =	sst s0;
	s0 =	simm.s32 @!p2 $0x0  }
0x16: {  	s3 =	sld [smem:$0x3FDB];
	s0 =	simm.s32 @p2 $0x1  }
0x17: {  	s4 =	simm.s32 $0x1BF5;
	[smem:$0x3FB7] =	sst s0  }
0x18: {  	s0 =	sld [smem:$0x3F9A];
	_ =	swait.ge [sflag:s4], $0x0  }
0x19: {  	s7 =	sld [smem:$0x3F9B]  }
0x1a: {  	s8 =	sadd.s32 $0xFFFFE003, lr  }
0x1b: {  	s9 =	sadd.s32 $0xFFFFFEF7, lr;
	s5 =	simm.s32 $0xFFFFFFFF;
	p2 =	slt.u32 s8, $0xFFFFF086  }
0x1c: {  	p1 =	slt.u32 s9, $0xF7A;
	s5 =	simm.s32 @!p2 $0x0  }
0x1d: {  	s5 =	simm.s32 @p1 $0x1;
	p0 =	seq.s32 s7, s2  }
0x1e: {  	s7 =	smul.u32 @!p0 $0xF7A, s2;
	p2 =	seq.s32 @!p0 s5, $0x0  }
0x1f: {  	s9 =	smul.u32 $0xF7A, s1;
	s8 =	simm.s32 @!p0 $0x1BF5;
	p2 =	por !p2, p0  }
0x20: {  	[sflag:s8] =	ssyncset.s32 @!p0 $0xFFFFF086;
	s6 =	sadd.s32 @!p0 s3, s7;
	s7 =	simm.s32 @!p0 $0x108  }
0x21: {  	s3 =	sadd.s32 s3, s9;
	s6 =	sadd.s32 @!p0 $0x88, s6;
	s7 =	simm.s32 @p2 $0x1082  }
0x22: {  	[simem:s7], [sflag:s8] =	dma.local @!p0 [hbm:s6], $0xF7A  }
0x23: {  	s9 =	sor.u32 $0xD0000000, s2;
	s6 =	simm.s32 $0x108;
	_ =	swait.ge @!p0 [sflag:s8], $0x0  }
0x24: {  	s3 =	sadd.s32 $0x88, s3;
	s6 =	simm.s32 @!p1 $0x1082;
	[sflag:s4] =	ssyncset.s32 $0xFFFFF086  }
0x25: {  	[simem:s6], [sflag:s4] =	dma.local [hbm:s3], $0xF7A  }
0x26: {  	[smem:$0x3F9B] =	sst s1;
	(tag) =	ssettag s2;
	_ =	strace s9  }
0x27: {  	s1 =	sld [smem:$0x3FAB]  }
0x28: {  	s2 =	sld [smem:$0x3FAC]  }
0x29: {  	s4 =	sld [smem:$0x3FAE]  }
0x2a: {  	p0 =	seq.s32 s5, $0x0;
	s5 =	sld [smem:$0x3FAF]  }
0x2b: {  	s6 =	sld [smem:$0x3FB0]  }
0x2c: {  	s7 =	sld [smem:$0x3FB1]  }
0x2d: {  	s3 =	simm.s32 $0x108;
	s8 =	sld [smem:$0x3FB2]  }
0x2e: {  	s3 =	simm.s32 @!p0 $0x1082;
	s9 =	sld [smem:$0x3FB3]  }
0x2f: {  	lr =	sadd.s32 s0, s3;
	s0 =	sld [smem:$0x3FAA]  }
0x30: {  	s3 =	sld [smem:$0x3FAD]  }
0x31: {  	[smem:$0x3FB6] =	sst s10  }
0x32: {  	s10 =	sld [smem:$0x3FB4];
	_ =	sdelay $0x3  }
0x33: {  	p0 =	seq.s32 s10, $0x1;
	s10 =	sld [smem:$0x3FB6];
	_ =	sdelay $0x3  }
0x34: {  	[smem:$0x3FB6] =	sst s10  }
0x35: {  	s10 =	sld [smem:$0x3FB5];
	_ =	sdelay $0x3  }
0x36: {  	p1 =	seq.s32 s10, $0x1;
	s10 =	sld [smem:$0x3FB6];
	_ =	sdelay $0x3  }
0x37: {  	[smem:$0x3FB6] =	sst s10  }
0x38: {  	s10 =	sld [smem:$0x3FB7]  }
0x39: {  	_ = 	snop;
	(pc) =	sbr.ind lr, $3  }
0x3a: {  	_ = 	snop  }
0x3b: {  	_ = 	snop  }
0x3c: {  	p2 =	seq.s32 s10, $0x1;
	s10 =	sld [smem:$0x3FB6]  }
0x3d: {  	_ =	shalt  }
0x3e: {  	_ =	shalt  }
0x3f: {  	_ =	shalt  }
0x40: {  	_ =	shalt  }
0x41: {  	_ =	shalt  }
0x42: {  	_ =	shalt  }
0x43: {  	_ =	shalt  }
0x44: {  	_ =	shalt  }
0x45: {  	_ =	shalt  }
0x46: {  	_ =	shalt  }
0x47: {  	_ =	shalt  }
0x48: {  	_ =	shalt  }
0x49: {  	_ =	shalt  }
0x4a: {  	_ =	shalt  }
0x4b: {  	_ =	shalt  }
0x4c: {  	_ =	shalt  }
0x4d: {  	_ =	shalt  }
0x4e: {  	_ =	shalt  }
0x4f: {  	_ =	shalt  }
0x50: {  	_ =	shalt  }
0x51: {  	_ =	shalt  }
0x52: {  	_ =	shalt  }
0x53: {  	_ =	shalt  }
0x54: {  	_ =	shalt  }
0x55: {  	_ =	shalt  }
0x56: {  	_ =	shalt  }
0x57: {  	_ =	shalt  }
0x58: {  	_ =	shalt  }
0x59: {  	_ =	shalt  }
0x5a: {  	_ =	shalt  }
0x5b: {  	_ =	shalt  }
0x5c: {  	_ =	shalt  }
0x5d: {  	_ =	shalt  }
0x5e: {  	_ =	shalt  }
0x5f: {  	_ =	shalt  }
0x60: {  	_ =	shalt  }
0x61: {  	_ =	shalt  }
0x62: {  	_ =	shalt  }
0x63: {  	_ =	shalt  }
0x64: {  	_ =	shalt  }
0x65: {  	_ =	shalt  }
0x66: {  	_ =	shalt  }
0x67: {  	_ =	shalt  }
0x68: {  	_ =	shalt  }
0x69: {  	_ =	shalt  }
0x6a: {  	_ =	shalt  }
0x6b: {  	_ =	shalt  }
0x6c: {  	_ =	shalt  }
0x6d: {  	_ =	shalt  }
0x6e: {  	_ =	shalt  }
0x6f: {  	_ =	shalt  }
0x70: {  	_ =	shalt  }
0x71: {  	_ =	shalt  }
0x72: {  	_ =	shalt  }
0x73: {  	_ =	shalt  }
0x74: {  	_ =	shalt  }
0x75: {  	_ =	shalt  }
0x76: {  	_ =	shalt  }
0x77: {  	_ =	shalt  }
0x78: {  	_ =	shalt  }
0x79: {  	_ =	shalt  }
0x7a: {  	_ =	shalt  }
0x7b: {  	_ =	shalt  }
0x7c: {  	_ =	shalt  }
0x7d: {  	_ =	shalt  }
0x7e: {  	_ =	shalt  }
0x7f: {  	_ =	shalt  }
0x80: {  	_ =	shalt  }
0x81: {  	_ =	shalt  }
0x82: {  	_ =	shalt  }
0x83: {  	_ =	shalt  }
0x84: {  	_ =	shalt  }
0x85: {  	_ =	shalt  }
0x86: {  	_ =	shalt  }
0x87: {  	_ =	shalt  }
.Lfunc_end0:
.L_simem_size_0:
called_computation.1_lowered:
.L_overlay_start_0:
0x88: {  	s2 =	sld [smem:$0x3FD9]  }
0x89: {  	s3 =	sld [smem:$0x3FFE];
	_ =	sdelay $0x1  }
0x8a: {  	s1 =	srdreg.scid  }
0x8b: {  	s0 =	sand.u32 $0x1, s1  }
0x8c: {  	s17 =	sshll.u32 s0, $0xA;
	s2 =	sadd.s32 s3, s2  }
0x8d: {  	s2 =	sadd.s32 s2, s17  }
0x8e: {  	[smem:$0x3FC2] =	sst s2  }
0x8f: {  	_ = 	snop  }
0x90: {  	s2 =	sld [smem:$0x3FD0];
	(tm) =	ssettm $0x1  }
0x91: {  	s18 =	sld [smem:$0x3FFB];
	_ =	sdelay $0x3  }
0x92: {  	_ =	strace s18  }
0x93: {  	s3 =	sld [smem:$0x3FFC];
	_ =	sdelay $0x3  }
0x94: {  	_ =	strace s3  }
0x95: {  	s3 =	sld [smem:$0x3FFD];
	_ =	sdelay $0x3  }
0x96: {  	_ =	strace s3  }
0x97: {  	_ =	strace $0x8FFFFFFF  }
0x98: {  	s19 =	sld [smem:$0x3FDB];
	_ =	sdelay $0x1  }
0x99: {  	s4 =	simm.s32 $_scs_section_size  }
0x9a: {  	s5 =	simm.s32 $_size__tile_overlayer_lowered;
	s6 =	simm.s32 $_tile_overlayer_lowered  }
0x9b: {  	s22 =	simm.s32 $0x1BFF;
	s21 =	sshll.u32 s6, $0x1;
	s3 =	sadd.s32 s4, s19  }
0x9c: {  	s7 =	simm.s32 $0x0;
	s20 =	sshll.u32 s5, $0x1;
	s5 =	sadd.s32 s21, s3  }
0x9d: {  	[timem:s7], [sflag:s22] =	dma.local [hbm:s5], s20  }
0x9e: {  	_ =	swait.ge [sflag:s22], s20  }
0x9f: {  	s4 =	ssub.s32 $0x0, s20;
	[sflag:s22] =	ssyncset.done $0x0  }
0xa0: {  	[sflag:s22] =	ssyncadd.s32 s4;
	_ =	sdelay $0x1  }
0xa1: {  	s23 =	simm.s32 $0x1B8B  }
0xa2: {  	_ =	swait.ge [sflag:s23], $0x1  }
0xa3: {  	[sflag:s23] =	ssyncset.done $0x0  }
0xa4: {  	s25 =	simm.s32 $0x1B8E;
	s24 =	sld [smem:$0x3FFE];
	[sflag:s23] =	ssyncadd.s32 $0xFFFFFFFF  }
0xa5: {  	s26 =	simm.s32 $execute0_lowered;
	[smem:$0x3FD2] =	sst s25  }
0xa6: {  	s5 =	sshll.u32 s26, $0x1;
	_ =	strace $0x80000049;
	[dreg:$0x1] =	wrdreg $0xFFFFFFFF  }
0xa7: {  	s28 =	simm.s32 $_size_execute0_lowered;
	s3 =	sadd.s32 s3, s5;
	[dreg:$0x0] =	wrdreg $0x0  }
0xa8: {  	s5 =	sshll.u32 s28, $0x1;
	[dreg:$0x2] =	wrdreg s3  }
0xa9: {  	[dreg:$0x3] =	wrdreg s5  }
0xaa: {  	[dreg:$0x4] =	wrdreg $0xC0  }
0xab: {  	_ =	task [dreg:s7], $0x5FFFF  }
0xac: {  	[dreg:$0x1] =	wrdreg $0xFFFFFFFF  }
0xad: {  	[dreg:$0x0] =	wrdreg $0x60  }
0xae: {  	[dreg:$0x2] =	wrdreg s2  }
0xaf: {  	[dreg:$0x3] =	wrdreg s24  }
0xb0: {  	[dreg:$0x4] =	wrdreg $0x0  }
0xb1: {  	[dreg:$0x5] =	wrdreg $0x9  }
0xb2: {  	_ =	task.clear_ibuf [dreg:s7], $0x6FFFF;
	_ =	strace $0x90000049  }
0xb3: {  	s29 =	simm.s32 $0x9;
	_ =	strace $0x8000004B  }
0xb4: {  	_ =	swait.ge [sflag:s29], $0x1  }
0xb5: {  	[sflag:s29] =	ssyncadd.s32 $0xFFFFFFFF  }
0xb6: {  	_ =	strace $0x9000004B  }
0xb7: {  	_ =	sfence  }
0xb8: {  	s30 =	sld [smem:$0x0];
	_ =	sdelay $0x2  }
0xb9: {  	s31 =	sshll.u32 s1, $0xD;
	s1 =	sshrl.u32 s1, $0x2  }
0xba: {  	s3 =	sand.u32 $0x4000, s31;
	s1 =	sadd.s32 s1, s30  }
0xbb: {  	s0 =	sor.u32 s3, s0;
	s1 =	sshll.u32 s1, $0x11  }
0xbc: {  	s0 =	sor.u32 s1, s0  }
0xbd: {  	s0 =	sadd.s32 $0x8F2B, s0  }
0xbe: {  	[sflag:s0] =	ssyncadd.remote.s32 $0x1  }
0xbf: {  	_ =	sfence.sel $0xFFFF  }
0xc0: {  	[dreg:$0x0] =	wrdreg $0xFFFFFFFF;
	(pc) =	sbr.abs _section_cstart, $3  }
0xc1: {  	[dreg:$0x1] =	wrdreg $0xFFFFFFFF  }
0xc2: {  	_ =	task.clear_ibuf [dreg:s7], $0x2FFFF;
	_ =	strace $0x9FFFFFFF  }
0xc3: {  	(tm) =	ssettm $0x7FFFFFFF  }
tec
execute0_lowered:
.L_overlay_start_1:
0x0: {  	(tag) =	ssettag $0x1  }
0x1: {  	s2 =	rddreg [dreg:$0x0]  }
0x2: {  	s6 =	rddreg [dreg:$0x1]  }
0x3: {  	s0 =	srdreg.scid;
	s3 =	rddreg [dreg:$0x2]  }
0x4: {  	s1 =	stileid.u32;
	s4 =	simm.s32 $0x0;
	s11 =	simm.s32 $0x1  }
0x5: {  	s12 =	simm.s32 $0xC710;
	s15 =	simm.s32 $0x50;
	s16 =	simm.s32 $0xEE20  }
0x6: {  	s17 =	simm.s32 $0x0;
	s5 =	sand.u32 $0x1, s0;
	s0 =	rddreg [dreg:$0x3]  }
0x7: {  	s8 =	smul.u32 $0xA000, s1;
	[smem:$0x7FF] =	sst s4;
	s13 =	sshll.u32 s1, $0x6  }
0x8: {  	s7 =	sshll.u32 s5, $0x4;
	s9 =	smul.u32 $0xA0000, s5;
	_ =	strace $0x8000004A  }
0x9: {  	s10 =	ssub.s32 $0x2, s5;
	s5 =	sadd.s32 $0x15600, s6;
	s7 =	sor.u32 s1, s7  }
0xa: {  	s13 =	sor.u32 $0x1C01, s13;
	s31 =	sshrl.u32 s10, $0x1;
	s7 =	smul.u32 $0x4E2, s7  }
0xb: {  	s14 =	sadd.s32 s8, s3;
	s9 =	sadd.s32 s8, s9;
	s10 =	ssub.s32 s10, s31  }
0xc: {  	s14 =	sshrl.u32 s14, $0x3;
	s9 =	sshrl.u32 s9, $0x3;
	s7 =	sadd.s32 s7, s6  }
0xd: {  	s9 =	sadd.s32 s9, s6;
	s6 =	sadd.s32 $0x1A00, s7;
	s7 =	sadd.s32 $0xB800, s7  }
0xe: {  	s8 =	sadd.s32 $0x16A00, s9;
	s9 =	smax.u32 s10, $0x1;
	s10 =	simm.s32 $0xA000  }
.LBB2_1:
0xf: {  	[tilespmem:s10], [sflag:$0x1] =	stream.linear.gather [hbm4b:s6+s4], $0x2710, $0x38;
	[tilespmem:$0x10220] =	vst v63  }
0x10: {  	_ =	swait.ge [sflag:s11], $0x2710  }
0x11: {  	[sflag:s11] =	ssyncset.done $0x0  }
0x12: {  	[sflag:s11] =	ssyncadd.s32 $0xFFFFD8F0  }
0x13: {  	[tilespmem:s12], [sflag:$0x1] =	stream.linear.gather [hbm4b:s7+s4], $0x2710, $0x38;
	[tilespmem:$0x10220] =	vst v63  }
0x14: {  	_ =	swait.ge [sflag:s11], $0x2710  }
0x15: {  	[sflag:s11] =	ssyncset.done $0x0  }
0x16: {  	[sflag:s11] =	ssyncadd.s32 $0xFFFFD8F0  }
0x17: {  	[spmem:s14], [sflag:s13] =	dma.local [hbm:s5], $0x1400  }
0x18: {  	_ =	swait.ge [sflag:s11], $0x1400  }
0x19: {  	[sflag:s11] =	ssyncset.done $0x0  }
0x1a: {  	[sflag:s11] =	ssyncadd.s32 $0xFFFFEC00  }
0x1b: {  	s18 =	simm.s32 $0xA000;
	[bflag:$0x0] =	sbarrier.arrive $0xFFFF  }
0x1c: {  	[tilespmem:s16], [sflag:$0x1] =	stream.indirect.gather [hbm4b:s2+s15], $0x40, s18, s15, $0xb8;
	[tilespmem:$0x10220] =	vst v63  }
0x1d: {  	_ =	swait.ge [sflag:s11], $0x1400  }
0x1e: {  	[sflag:s11] =	ssyncset.done $0x0  }
0x1f: {  	s31 =	simm.s32 $0xC710;
	[sflag:s11] =	ssyncadd.s32 $0xFFFFEC00  }
0x20: {  	[spmem:s3] =	stream.indirect.scatter.add.f32 [tilespmem:s16], [sflag:$0x1], $0x40, s31, s15, $0xb8;
	[tilespmem:$0x10220] =	vst v63  }
0x21: {  	_ =	swait.ge [sflag:s11], $0x1400  }
0x22: {  	s19 =	simm.s32 $0x280;
	s18 =	simm.s32 $0x50;
	[sflag:s11] =	ssyncset.done $0x0  }
.LBB2_2:
0x23: {  	s20 =	sadd.s32 $0xA000, s18  }
0x24: {  	[sflag:s11] =	ssyncadd.s32 $0xFFFFEC00;
	s21 =	smov.u32 s19;
	s22 =	sadd.s32 $0x140, s19  }
0x25: {  	[tilespmem:s16], [sflag:$0x1] =	stream.indirect.gather [hbm4b:s2+s15], $0x40, s20, s15, $0xb8;
	[tilespmem:$0x10220] =	vst v63  }
0x26: {  	p0 =	sne.s32 s19, $0x9B00;
	_ =	swait.ge [sflag:s11], $0x1400  }
.Ltmp0:
0x27: {  	[sflag:s11] =	ssyncset.done $0x0;
	(pc) =	sbr.rel @p0 .LBB2_2-.Ltmp0, $4  }
0x28: {  	s18 =	sadd.s32 $0xC710, s18;
	[sflag:s11] =	ssyncadd.s32 $0xFFFFEC00  }
0x29: {  	[spmem:s3] =	stream.indirect.scatter.add.f32 [tilespmem:s16], [sflag:$0x1], $0x40, s18, s15, $0xb8;
	[tilespmem:$0x10220] =	vst v63  }
0x2a: {  	_ =	swait.ge [sflag:s11], $0x1400  }
0x2b: {  	s19 =	smov.u32 s22;
	s18 =	sshra.s32 s21, $0x2;
	[sflag:s11] =	ssyncset.done $0x0  }
0x2c: {  	s19 =	sadd.s32 $0xA000, s18;
	[sflag:s11] =	ssyncadd.s32 $0xFFFFEC00  }
0x2d: {  	[tilespmem:s16], [sflag:$0x1] =	stream.indirect.gather [hbm4b:s2+s15], $0x40, s19, s15, $0xb8;
	[tilespmem:$0x10220] =	vst v63  }
0x2e: {  	_ =	swait.ge [sflag:s11], $0x1400  }
0x2f: {  	[sflag:s11] =	ssyncset.done $0x0  }
0x30: {  	s31 =	sadd.s32 $0xC710, s18;
	[sflag:s11] =	ssyncadd.s32 $0xFFFFEC00  }
0x31: {  	[spmem:s3] =	stream.indirect.scatter.add.f32 [tilespmem:s16], [sflag:$0x1], $0x40, s31, s15, $0xb8;
	[tilespmem:$0x10220] =	vst v63  }
0x32: {  	_ =	swait.ge [sflag:s11], $0x1400  }
0x33: {  	s17 =	sadd.s32 $0x1, s17;
	[sflag:s11] =	ssyncset.done $0x0  }
0x34: {  	p0 =	sne.s32 s17, s9;
	[sflag:s11] =	ssyncadd.s32 $0xFFFFEC00  }
.Ltmp1:
0x35: {  	[bflag:$0x0] =	sbarrier.arrive $0xFFFF;
	(pc) =	sbr.rel @p0 .LBB2_1-.Ltmp1, $4  }
0x36: {  	[hbm:s8], [sflag:s13] =	dma.local [spmem:s14], $0x1400  }
0x37: {  	_ =	swait.ge [sflag:s11], $0x1400  }
0x38: {  	[sflag:s11] =	ssyncset.done $0x0  }
0x39: {  	[sflag:s11] =	ssyncadd.s32 $0xFFFFEC00  }
0x3a: {  	_ =	sfence.sel $0x180000  }
0x3b: {  	[bflag:$0x0] =	sbarrier.arrive $0xFFFF  }
0x3c: {  	p0 =	sne.s32 s1, $0x0;
	_ =	strace $0x9000004A  }
0x3d: {  	s0 =	sadd.s32 @!p0 $0x100000, s0;
	[bflag:$0x2] =	sbarrier.arrive $0xFFFF  }
0x3e: {  	[sflag:s0] =	ssyncadd.tile.s32 @!p0 $0x1;
	_ =	shalt  }
.Lfunc_end2:
_tile_overlayer_lowered:
.L_overlay_start_2:
0x3f: {  	(tag) =	ssettag $0x2  }
0x40: {  	s0 =	rddreg [dreg:$0x0];
	s2 =	stileid.u32  }
0x41: {  	s1 =	rddreg [dreg:$0x1];
	p0 =	sne.s32 s2, $0x0  }
0x42: {  	s3 =	rddreg [dreg:$0x2];
	[bflag:$0x3] =	sbarrier.arrive $0xFFFF;
	s2 =	simm.s32 @!p0 $0x1C01  }
0x43: {  	[timem:s3], [sflag:s2] =	dma.local @!p0 [hbm:s0], s1  }
0x44: {  	s0 =	simm.s32 @!p0 $0x1  }
0x45: {  	_ =	swait.ge @!p0 [sflag:s0], s1  }
0x46: {  	s1 =	ssub.s32 @!p0 $0x0, s1;
	[sflag:s0] =	ssyncset.done @!p0 $0x0  }
0x47: {  	[sflag:s0] =	ssyncadd.s32 @!p0 s1  }
0x48: {  	[bflag:$0x3] =	sbarrier.arrive $0xFFFF  }
0x49: {  	_ =	shalt  }

// kernel: kernel.14.cloned.1.call-start
scs
__scs_entry_jumppad:
0x0: {  	(pc) =	sbr.rel $0x88, $3  }
0x1: {  	(tag) =	ssettag $0x0;
	lr =	simm.s32 $0x1  }
0x2: {  	[smem:$0x3F9B] =	sst lr;
	_ =	strace $0xD0000000  }
0x3: {  	_ = 	snop  }
0x4: {  	_ = 	snop  }
0x5: {  	_ = 	snop  }
0x6: {  	_ = 	snop  }
0x7: {  	_ = 	snop  }
__scs_overlays_trampoline_lowered:
0x8: {  	[smem:$0x3FAA] =	sst s0  }
0x9: {  	[smem:$0x3FAB] =	sst s1  }
0xa: {  	[smem:$0x3FAC] =	sst s2  }
0xb: {  	[smem:$0x3FAD] =	sst s3  }
0xc: {  	[smem:$0x3FAE] =	sst s4  }
0xd: {  	[smem:$0x3FAF] =	sst s5  }
0xe: {  	[smem:$0x3FB0] =	sst s6  }
0xf: {  	[smem:$0x3FB1] =	sst s7  }
0x10: {  	[smem:$0x3FB2] =	sst s8  }
0x11: {  	[smem:$0x3FB3] =	sst s9;
	s0 =	simm.s32 @!p0 $0x0  }
0x12: {  	s1 =	sld [smem:$0x3F99];
	s0 =	simm.s32 @p0 $0x1  }
0x13: {  	[smem:$0x3FB4] =	sst s0;
	s0 =	simm.s32 @!p1 $0x0  }
0x14: {  	s2 =	sld [smem:$0x3F98];
	s0 =	simm.s32 @p1 $0x1  }
0x15: {  	[smem:$0x3FB5] =	sst s0;
	s0 =	simm.s32 @!p2 $0x0  }
0x16: {  	s3 =	sld [smem:$0x3FDB];
	s0 =	simm.s32 @p2 $0x1  }
0x17: {  	s4 =	simm.s32 $0x1BF5;
	[smem:$0x3FB7] =	sst s0  }
0x18: {  	s0 =	sld [smem:$0x3F9A];
	_ =	swait.ge [sflag:s4], $0x0  }
0x19: {  	s7 =	sld [smem:$0x3F9B]  }
0x1a: {  	s8 =	sadd.s32 $0xFFFFE003, lr  }
0x1b: {  	s9 =	sadd.s32 $0xFFFFFEF7, lr;
	s5 =	simm.s32 $0xFFFFFFFF;
	p2 =	slt.u32 s8, $0xFFFFF086  }
0x1c: {  	p1 =	slt.u32 s9, $0xF7A;
	s5 =	simm.s32 @!p2 $0x0  }
0x1d: {  	s5 =	simm.s32 @p1 $0x1;
	p0 =	seq.s32 s7, s2  }
0x1e: {  	s7 =	smul.u32 @!p0 $0xF7A, s2;
	p2 =	seq.s32 @!p0 s5, $0x0  }
0x1f: {  	s9 =	smul.u32 $0xF7A, s1;
	s8 =	simm.s32 @!p0 $0x1BF5;
	p2 =	por !p2, p0  }
0x20: {  	[sflag:s8] =	ssyncset.s32 @!p0 $0xFFFFF086;
	s6 =	sadd.s32 @!p0 s3, s7;
	s7 =	simm.s32 @!p0 $0x108  }
0x21: {  	s3 =	sadd.s32 s3, s9;
	s6 =	sadd.s32 @!p0 $0x88, s6;
	s7 =	simm.s32 @p2 $0x1082  }
0x22: {  	[simem:s7], [sflag:s8] =	dma.local @!p0 [hbm:s6], $0xF7A  }
0x23: {  	s9 =	sor.u32 $0xD0000000, s2;
	s6 =	simm.s32 $0x108;
	_ =	swait.ge @!p0 [sflag:s8], $0x0  }
0x24: {  	s3 =	sadd.s32 $0x88, s3;
	s6 =	simm.s32 @!p1 $0x1082;
	[sflag:s4] =	ssyncset.s32 $0xFFFFF086  }
0x25: {  	[simem:s6], [sflag:s4] =	dma.local [hbm:s3], $0xF7A  }
0x26: {  	[smem:$0x3F9B] =	sst s1;
	(tag) =	ssettag s2;
	_ =	strace s9  }
0x27: {  	s1 =	sld [smem:$0x3FAB]  }
0x28: {  	s2 =	sld [smem:$0x3FAC]  }
0x29: {  	s4 =	sld [smem:$0x3FAE]  }
0x2a: {  	p0 =	seq.s32 s5, $0x0;
	s5 =	sld [smem:$0x3FAF]  }
0x2b: {  	s6 =	sld [smem:$0x3FB0]  }
0x2c: {  	s7 =	sld [smem:$0x3FB1]  }
0x2d: {  	s3 =	simm.s32 $0x108;
	s8 =	sld [smem:$0x3FB2]  }
0x2e: {  	s3 =	simm.s32 @!p0 $0x1082;
	s9 =	sld [smem:$0x3FB3]  }
0x2f: {  	lr =	sadd.s32 s0, s3;
	s0 =	sld [smem:$0x3FAA]  }
0x30: {  	s3 =	sld [smem:$0x3FAD]  }
0x31: {  	[smem:$0x3FB6] =	sst s10  }
0x32: {  	s10 =	sld [smem:$0x3FB4];
	_ =	sdelay $0x3  }
0x33: {  	p0 =	seq.s32 s10, $0x1;
	s10 =	sld [smem:$0x3FB6];
	_ =	sdelay $0x3  }
0x34: {  	[smem:$0x3FB6] =	sst s10  }
0x35: {  	s10 =	sld [smem:$0x3FB5];
	_ =	sdelay $0x3  }
0x36: {  	p1 =	seq.s32 s10, $0x1;
	s10 =	sld [smem:$0x3FB6];
	_ =	sdelay $0x3  }
0x37: {  	[smem:$0x3FB6] =	sst s10  }
0x38: {  	s10 =	sld [smem:$0x3FB7]  }
0x39: {  	_ = 	snop;
	(pc) =	sbr.ind lr, $3  }
0x3a: {  	_ = 	snop  }
0x3b: {  	_ = 	snop  }
0x3c: {  	p2 =	seq.s32 s10, $0x1;
	s10 =	sld [smem:$0x3FB6]  }
0x3d: {  	_ =	shalt  }
0x3e: {  	_ =	shalt  }
0x3f: {  	_ =	shalt  }
0x40: {  	_ =	shalt  }
0x41: {  	_ =	shalt  }
0x42: {  	_ =	shalt  }
0x43: {  	_ =	shalt  }
0x44: {  	_ =	shalt  }
0x45: {  	_ =	shalt  }
0x46: {  	_ =	shalt  }
0x47: {  	_ =	shalt  }
0x48: {  	_ =	shalt  }
0x49: {  	_ =	shalt  }
0x4a: {  	_ =	shalt  }
0x4b: {  	_ =	shalt  }
0x4c: {  	_ =	shalt  }
0x4d: {  	_ =	shalt  }
0x4e: {  	_ =	shalt  }
0x4f: {  	_ =	shalt  }
0x50: {  	_ =	shalt  }
0x51: {  	_ =	shalt  }
0x52: {  	_ =	shalt  }
0x53: {  	_ =	shalt  }
0x54: {  	_ =	shalt  }
0x55: {  	_ =	shalt  }
0x56: {  	_ =	shalt  }
0x57: {  	_ =	shalt  }
0x58: {  	_ =	shalt  }
0x59: {  	_ =	shalt  }
0x5a: {  	_ =	shalt  }
0x5b: {  	_ =	shalt  }
0x5c: {  	_ =	shalt  }
0x5d: {  	_ =	shalt  }
0x5e: {  	_ =	shalt  }
0x5f: {  	_ =	shalt  }
0x60: {  	_ =	shalt  }
0x61: {  	_ =	shalt  }
0x62: {  	_ =	shalt  }
0x63: {  	_ =	shalt  }
0x64: {  	_ =	shalt  }
0x65: {  	_ =	shalt  }
0x66: {  	_ =	shalt  }
0x67: {  	_ =	shalt  }
0x68: {  	_ =	shalt  }
0x69: {  	_ =	shalt  }
0x6a: {  	_ =	shalt  }
0x6b: {  	_ =	shalt  }
0x6c: {  	_ =	shalt  }
0x6d: {  	_ =	shalt  }
0x6e: {  	_ =	shalt  }
0x6f: {  	_ =	shalt  }
0x70: {  	_ =	shalt  }
0x71: {  	_ =	shalt  }
0x72: {  	_ =	shalt  }
0x73: {  	_ =	shalt  }
0x74: {  	_ =	shalt  }
0x75: {  	_ =	shalt  }
0x76: {  	_ =	shalt  }
0x77: {  	_ =	shalt  }
0x78: {  	_ =	shalt  }
0x79: {  	_ =	shalt  }
0x7a: {  	_ =	shalt  }
0x7b: {  	_ =	shalt  }
0x7c: {  	_ =	shalt  }
0x7d: {  	_ =	shalt  }
0x7e: {  	_ =	shalt  }
0x7f: {  	_ =	shalt  }
0x80: {  	_ =	shalt  }
0x81: {  	_ =	shalt  }
0x82: {  	_ =	shalt  }
0x83: {  	_ =	shalt  }
0x84: {  	_ =	shalt  }
0x85: {  	_ =	shalt  }
0x86: {  	_ =	shalt  }
0x87: {  	_ =	shalt  }
.Lfunc_end0:
.L_simem_size_0:
called_computation.2_lowered:
.L_overlay_start_0:
0x88: {  	s2 =	sld [smem:$0x3FD9]  }
0x89: {  	s3 =	sld [smem:$0x3FFE];
	_ =	sdelay $0x1  }
0x8a: {  	s1 =	srdreg.scid  }
0x8b: {  	s0 =	sand.u32 $0x1, s1  }
0x8c: {  	s17 =	sshll.u32 s0, $0xA;
	s2 =	sadd.s32 s3, s2  }
0x8d: {  	s2 =	sadd.s32 s2, s17  }
0x8e: {  	[smem:$0x3FC2] =	sst s2  }
0x8f: {  	_ = 	snop  }
0x90: {  	s2 =	sld [smem:$0x3FD0];
	(tm) =	ssettm $0x1  }
0x91: {  	s18 =	sld [smem:$0x3FFB];
	_ =	sdelay $0x3  }
0x92: {  	_ =	strace s18  }
0x93: {  	s3 =	sld [smem:$0x3FFC];
	_ =	sdelay $0x3  }
0x94: {  	_ =	strace s3  }
0x95: {  	s3 =	sld [smem:$0x3FFD];
	_ =	sdelay $0x3  }
0x96: {  	_ =	strace s3  }
0x97: {  	_ =	strace $0x8FFFFFFF  }
0x98: {  	s19 =	sld [smem:$0x3FDB];
	_ =	sdelay $0x1  }
0x99: {  	s4 =	simm.s32 $_scs_section_size  }
0x9a: {  	s5 =	simm.s32 $_size__tile_overlayer_lowered;
	s6 =	simm.s32 $_tile_overlayer_lowered  }
0x9b: {  	s22 =	simm.s32 $0x1BFF;
	s21 =	sshll.u32 s6, $0x1;
	s3 =	sadd.s32 s4, s19  }
0x9c: {  	s7 =	simm.s32 $0x0;
	s20 =	sshll.u32 s5, $0x1;
	s5 =	sadd.s32 s21, s3  }
0x9d: {  	[timem:s7], [sflag:s22] =	dma.local [hbm:s5], s20  }
0x9e: {  	_ =	swait.ge [sflag:s22], s20  }
0x9f: {  	s4 =	ssub.s32 $0x0, s20;
	[sflag:s22] =	ssyncset.done $0x0  }
0xa0: {  	[sflag:s22] =	ssyncadd.s32 s4;
	_ =	sdelay $0x1  }
0xa1: {  	s23 =	simm.s32 $0x1B8B  }
0xa2: {  	_ =	swait.ge [sflag:s23], $0x1  }
0xa3: {  	[sflag:s23] =	ssyncset.done $0x0  }
0xa4: {  	s25 =	simm.s32 $0x1B8E;
	s24 =	sld [smem:$0x3FFE];
	[sflag:s23] =	ssyncadd.s32 $0xFFFFFFFF  }
0xa5: {  	s26 =	simm.s32 $execute0_lowered;
	[smem:$0x3FD2] =	sst s25  }
0xa6: {  	s5 =	sshll.u32 s26, $0x1;
	_ =	strace $0x8000004C;
	[dreg:$0x1] =	wrdreg $0xFFFFFFFF  }
0xa7: {  	s28 =	simm.s32 $_size_execute0_lowered;
	s3 =	sadd.s32 s3, s5;
	[dreg:$0x0] =	wrdreg $0x0  }
0xa8: {  	s5 =	sshll.u32 s28, $0x1;
	[dreg:$0x2] =	wrdreg s3  }
0xa9: {  	[dreg:$0x3] =	wrdreg s5  }
0xaa: {  	[dreg:$0x4] =	wrdreg $0xC0  }
0xab: {  	_ =	task [dreg:s7], $0x5FFFF  }
0xac: {  	[dreg:$0x1] =	wrdreg $0xFFFFFFFF  }
0xad: {  	[dreg:$0x0] =	wrdreg $0x60  }
0xae: {  	[dreg:$0x2] =	wrdreg s2  }
0xaf: {  	[dreg:$0x3] =	wrdreg s24  }
0xb0: {  	[dreg:$0x4] =	wrdreg $0x0  }
0xb1: {  	[dreg:$0x5] =	wrdreg $0x9  }
0xb2: {  	_ =	task.clear_ibuf [dreg:s7], $0x6FFFF;
	_ =	strace $0x9000004C  }
0xb3: {  	s29 =	simm.s32 $0x9;
	_ =	strace $0x8000004E  }
0xb4: {  	_ =	swait.ge [sflag:s29], $0x1  }
0xb5: {  	[sflag:s29] =	ssyncadd.s32 $0xFFFFFFFF  }
0xb6: {  	_ =	strace $0x9000004E  }
0xb7: {  	_ =	sfence  }
0xb8: {  	s30 =	sld [smem:$0x0];
	_ =	sdelay $0x2  }
0xb9: {  	s31 =	sshll.u32 s1, $0xD;
	s1 =	sshrl.u32 s1, $0x2  }
0xba: {  	s3 =	sand.u32 $0x4000, s31;
	s1 =	sadd.s32 s1, s30  }
0xbb: {  	s0 =	sor.u32 s3, s0;
	s1 =	sshll.u32 s1, $0x11  }
0xbc: {  	s0 =	sor.u32 s1, s0  }
0xbd: {  	s0 =	sadd.s32 $0x8F2B, s0  }
0xbe: {  	[sflag:s0] =	ssyncadd.remote.s32 $0x1  }
0xbf: {  	_ =	sfence.sel $0xFFFF  }
0xc0: {  	[dreg:$0x0] =	wrdreg $0xFFFFFFFF;
	(pc) =	sbr.abs _section_cstart, $3  }
0xc1: {  	[dreg:$0x1] =	wrdreg $0xFFFFFFFF  }
0xc2: {  	_ =	task.clear_ibuf [dreg:s7], $0x2FFFF;
	_ =	strace $0x9FFFFFFF  }
0xc3: {  	(tm) =	ssettm $0x7FFFFFFF  }
tec
execute0_lowered:
.L_overlay_start_1:
0x0: {  	(tag) =	ssettag $0x1  }
0x1: {  	s2 =	rddreg [dreg:$0x0]  }
0x2: {  	s6 =	rddreg [dreg:$0x1]  }
0x3: {  	s0 =	srdreg.scid;
	s3 =	rddreg [dreg:$0x2]  }
0x4: {  	s1 =	stileid.u32;
	s4 =	simm.s32 $0x0;
	s11 =	simm.s32 $0x1  }
0x5: {  	s12 =	simm.s32 $0x16710;
	s15 =	simm.s32 $0x50;
	s16 =	simm.s32 $0x18E20  }
0x6: {  	s17 =	simm.s32 $0x0;
	s5 =	sand.u32 $0x1, s0;
	s0 =	rddreg [dreg:$0x3]  }
0x7: {  	s8 =	smul.u32 $0x14000, s1;
	[smem:$0x7FF] =	sst s4;
	s13 =	sshll.u32 s1, $0x6  }
0x8: {  	s7 =	sshll.u32 s5, $0x4;
	s9 =	smul.u32 $0x140000, s5;
	_ =	strace $0x8000004D  }
0x9: {  	s10 =	ssub.s32 $0x2, s5;
	s5 =	sadd.s32 $0x15600, s6;
	s7 =	sor.u32 s1, s7  }
0xa: {  	s13 =	sor.u32 $0x1C01, s13;
	s31 =	sshrl.u32 s10, $0x1;
	s7 =	smul.u32 $0x4E2, s7  }
0xb: {  	s14 =	sadd.s32 s8, s3;
	s9 =	sadd.s32 s8, s9;
	s10 =	ssub.s32 s10, s31  }
0xc: {  	s14 =	sshrl.u32 s14, $0x3;
	s9 =	sshrl.u32 s9, $0x3;
	s7 =	sadd.s32 s7, s6  }
0xd: {  	s9 =	sadd.s32 s9, s6;
	s6 =	sadd.s32 $0x1A00, s7;
	s7 =	sadd.s32 $0xB800, s7  }
0xe: {  	s8 =	sadd.s32 $0x17E00, s9;
	s9 =	smax.u32 s10, $0x1;
	s10 =	simm.s32 $0x14000  }
.LBB2_1:
0xf: {  	[tilespmem:s10], [sflag:$0x1] =	stream.linear.gather [hbm4b:s6+s4], $0x2710, $0x38;
	[tilespmem:$0x1B620] =	vst v63  }
0x10: {  	_ =	swait.ge [sflag:s11], $0x2710  }
0x11: {  	[sflag:s11] =	ssyncset.done $0x0  }
0x12: {  	[sflag:s11] =	ssyncadd.s32 $0xFFFFD8F0  }
0x13: {  	[tilespmem:s12], [sflag:$0x1] =	stream.linear.gather [hbm4b:s7+s4], $0x2710, $0x38;
	[tilespmem:$0x1B620] =	vst v63  }
0x14: {  	_ =	swait.ge [sflag:s11], $0x2710  }
0x15: {  	[sflag:s11] =	ssyncset.done $0x0  }
0x16: {  	[sflag:s11] =	ssyncadd.s32 $0xFFFFD8F0  }
0x17: {  	[spmem:s14], [sflag:s13] =	dma.local [hbm:s5], $0x2800  }
0x18: {  	_ =	swait.ge [sflag:s11], $0x2800  }
0x19: {  	[sflag:s11] =	ssyncset.done $0x0  }
0x1a: {  	[sflag:s11] =	ssyncadd.s32 $0xFFFFD800  }
0x1b: {  	s18 =	simm.s32 $0x14000;
	[bflag:$0x0] =	sbarrier.arrive $0xFFFF  }
0x1c: {  	[tilespmem:s16], [sflag:$0x1] =	stream.indirect.gather [hbm4b:s2+s15], $0x80, s18, s15, $0xb8;
	[tilespmem:$0x1B620] =	vst v63  }
0x1d: {  	_ =	swait.ge [sflag:s11], $0x2800  }
0x1e: {  	[sflag:s11] =	ssyncset.done $0x0  }
0x1f: {  	s31 =	simm.s32 $0x16710;
	[sflag:s11] =	ssyncadd.s32 $0xFFFFD800  }
0x20: {  	[spmem:s3] =	stream.indirect.scatter.add.f32 [tilespmem:s16], [sflag:$0x1], $0x80, s31, s15, $0xb8;
	[tilespmem:$0x1B620] =	vst v63  }
0x21: {  	_ =	swait.ge [sflag:s11], $0x2800  }
0x22: {  	s19 =	simm.s32 $0x280;
	s18 =	simm.s32 $0x50;
	[sflag:s11] =	ssyncset.done $0x0  }
.LBB2_2:
0x23: {  	s20 =	sadd.s32 $0x14000, s18  }
0x24: {  	[sflag:s11] =	ssyncadd.s32 $0xFFFFD800;
	s21 =	smov.u32 s19;
	s22 =	sadd.s32 $0x140, s19  }
0x25: {  	[tilespmem:s16], [sflag:$0x1] =	stream.indirect.gather [hbm4b:s2+s15], $0x80, s20, s15, $0xb8;
	[tilespmem:$0x1B620] =	vst v63  }
0x26: {  	p0 =	sne.s32 s19, $0x9B00;
	_ =	swait.ge [sflag:s11], $0x2800  }
.Ltmp0:
0x27: {  	[sflag:s11] =	ssyncset.done $0x0;
	(pc) =	sbr.rel @p0 .LBB2_2-.Ltmp0, $4  }
0x28: {  	s18 =	sadd.s32 $0x16710, s18;
	[sflag:s11] =	ssyncadd.s32 $0xFFFFD800  }
0x29: {  	[spmem:s3] =	stream.indirect.scatter.add.f32 [tilespmem:s16], [sflag:$0x1], $0x80, s18, s15, $0xb8;
	[tilespmem:$0x1B620] =	vst v63  }
0x2a: {  	_ =	swait.ge [sflag:s11], $0x2800  }
0x2b: {  	s19 =	smov.u32 s22;
	s18 =	sshra.s32 s21, $0x2;
	[sflag:s11] =	ssyncset.done $0x0  }
0x2c: {  	s19 =	sadd.s32 $0x14000, s18;
	[sflag:s11] =	ssyncadd.s32 $0xFFFFD800  }
0x2d: {  	[tilespmem:s16], [sflag:$0x1] =	stream.indirect.gather [hbm4b:s2+s15], $0x80, s19, s15, $0xb8;
	[tilespmem:$0x1B620] =	vst v63  }
0x2e: {  	_ =	swait.ge [sflag:s11], $0x2800  }
0x2f: {  	[sflag:s11] =	ssyncset.done $0x0  }
0x30: {  	s31 =	sadd.s32 $0x16710, s18;
	[sflag:s11] =	ssyncadd.s32 $0xFFFFD800  }
0x31: {  	[spmem:s3] =	stream.indirect.scatter.add.f32 [tilespmem:s16], [sflag:$0x1], $0x80, s31, s15, $0xb8;
	[tilespmem:$0x1B620] =	vst v63  }
0x32: {  	_ =	swait.ge [sflag:s11], $0x2800  }
0x33: {  	s17 =	sadd.s32 $0x1, s17;
	[sflag:s11] =	ssyncset.done $0x0  }
0x34: {  	p0 =	sne.s32 s17, s9;
	[sflag:s11] =	ssyncadd.s32 $0xFFFFD800  }
.Ltmp1:
0x35: {  	[bflag:$0x0] =	sbarrier.arrive $0xFFFF;
	(pc) =	sbr.rel @p0 .LBB2_1-.Ltmp1, $4  }
0x36: {  	[hbm:s8], [sflag:s13] =	dma.local [spmem:s14], $0x2800  }
0x37: {  	_ =	swait.ge [sflag:s11], $0x2800  }
0x38: {  	[sflag:s11] =	ssyncset.done $0x0  }
0x39: {  	[sflag:s11] =	ssyncadd.s32 $0xFFFFD800  }
0x3a: {  	_ =	sfence.sel $0x180000  }
0x3b: {  	[bflag:$0x0] =	sbarrier.arrive $0xFFFF  }
0x3c: {  	p0 =	sne.s32 s1, $0x0;
	_ =	strace $0x9000004D  }
0x3d: {  	s0 =	sadd.s32 @!p0 $0x100000, s0;
	[bflag:$0x2] =	sbarrier.arrive $0xFFFF  }
0x3e: {  	[sflag:s0] =	ssyncadd.tile.s32 @!p0 $0x1;
	_ =	shalt  }
.Lfunc_end2:
_tile_overlayer_lowered:
.L_overlay_start_2:
0x3f: {  	(tag) =	ssettag $0x2  }
0x40: {  	s0 =	rddreg [dreg:$0x0];
	s2 =	stileid.u32  }
0x41: {  	s1 =	rddreg [dreg:$0x1];
	p0 =	sne.s32 s2, $0x0  }
0x42: {  	s3 =	rddreg [dreg:$0x2];
	[bflag:$0x3] =	sbarrier.arrive $0xFFFF;
	s2 =	simm.s32 @!p0 $0x1C01  }
0x43: {  	[timem:s3], [sflag:s2] =	dma.local @!p0 [hbm:s0], s1  }
0x44: {  	s0 =	simm.s32 @!p0 $0x1  }
0x45: {  	_ =	swait.ge @!p0 [sflag:s0], s1  }
0x46: {  	s1 =	ssub.s32 @!p0 $0x0, s1;
	[sflag:s0] =	ssyncset.done @!p0 $0x0  }
0x47: {  	[sflag:s0] =	ssyncadd.s32 @!p0 s1  }
0x48: {  	[bflag:$0x3] =	sbarrier.arrive $0xFFFF  }
0x49: {  	_ =	shalt  }

// kernel: kernel.8.cloned.1.call-start
scs
__scs_entry_jumppad:
0x0: {  	(pc) =	sbr.rel $0x88, $3  }
0x1: {  	(tag) =	ssettag $0x0;
	lr =	simm.s32 $0x1  }
0x2: {  	[smem:$0x3F9B] =	sst lr;
	_ =	strace $0xD0000000  }
0x3: {  	_ = 	snop  }
0x4: {  	_ = 	snop  }
0x5: {  	_ = 	snop  }
0x6: {  	_ = 	snop  }
0x7: {  	_ = 	snop  }
__scs_overlays_trampoline_lowered:
0x8: {  	[smem:$0x3FAA] =	sst s0  }
0x9: {  	[smem:$0x3FAB] =	sst s1  }
0xa: {  	[smem:$0x3FAC] =	sst s2  }
0xb: {  	[smem:$0x3FAD] =	sst s3  }
0xc: {  	[smem:$0x3FAE] =	sst s4  }
0xd: {  	[smem:$0x3FAF] =	sst s5  }
0xe: {  	[smem:$0x3FB0] =	sst s6  }
0xf: {  	[smem:$0x3FB1] =	sst s7  }
0x10: {  	[smem:$0x3FB2] =	sst s8  }
0x11: {  	[smem:$0x3FB3] =	sst s9;
	s0 =	simm.s32 @!p0 $0x0  }
0x12: {  	s1 =	sld [smem:$0x3F99];
	s0 =	simm.s32 @p0 $0x1  }
0x13: {  	[smem:$0x3FB4] =	sst s0;
	s0 =	simm.s32 @!p1 $0x0  }
0x14: {  	s2 =	sld [smem:$0x3F98];
	s0 =	simm.s32 @p1 $0x1  }
0x15: {  	[smem:$0x3FB5] =	sst s0;
	s0 =	simm.s32 @!p2 $0x0  }
0x16: {  	s3 =	sld [smem:$0x3FDB];
	s0 =	simm.s32 @p2 $0x1  }
0x17: {  	s4 =	simm.s32 $0x1BF5;
	[smem:$0x3FB7] =	sst s0  }
0x18: {  	s0 =	sld [smem:$0x3F9A];
	_ =	swait.ge [sflag:s4], $0x0  }
0x19: {  	s7 =	sld [smem:$0x3F9B]  }
0x1a: {  	s8 =	sadd.s32 $0xFFFFE003, lr  }
0x1b: {  	s9 =	sadd.s32 $0xFFFFFEF7, lr;
	s5 =	simm.s32 $0xFFFFFFFF;
	p2 =	slt.u32 s8, $0xFFFFF086  }
0x1c: {  	p1 =	slt.u32 s9, $0xF7A;
	s5 =	simm.s32 @!p2 $0x0  }
0x1d: {  	s5 =	simm.s32 @p1 $0x1;
	p0 =	seq.s32 s7, s2  }
0x1e: {  	s7 =	smul.u32 @!p0 $0xF7A, s2;
	p2 =	seq.s32 @!p0 s5, $0x0  }
0x1f: {  	s9 =	smul.u32 $0xF7A, s1;
	s8 =	simm.s32 @!p0 $0x1BF5;
	p2 =	por !p2, p0  }
0x20: {  	[sflag:s8] =	ssyncset.s32 @!p0 $0xFFFFF086;
	s6 =	sadd.s32 @!p0 s3, s7;
	s7 =	simm.s32 @!p0 $0x108  }
0x21: {  	s3 =	sadd.s32 s3, s9;
	s6 =	sadd.s32 @!p0 $0x88, s6;
	s7 =	simm.s32 @p2 $0x1082  }
0x22: {  	[simem:s7], [sflag:s8] =	dma.local @!p0 [hbm:s6], $0xF7A  }
0x23: {  	s9 =	sor.u32 $0xD0000000, s2;
	s6 =	simm.s32 $0x108;
	_ =	swait.ge @!p0 [sflag:s8], $0x0  }
0x24: {  	s3 =	sadd.s32 $0x88, s3;
	s6 =	simm.s32 @!p1 $0x1082;
	[sflag:s4] =	ssyncset.s32 $0xFFFFF086  }
0x25: {  	[simem:s6], [sflag:s4] =	dma.local [hbm:s3], $0xF7A  }
0x26: {  	[smem:$0x3F9B] =	sst s1;
	(tag) =	ssettag s2;
	_ =	strace s9  }
0x27: {  	s1 =	sld [smem:$0x3FAB]  }
0x28: {  	s2 =	sld [smem:$0x3FAC]  }
0x29: {  	s4 =	sld [smem:$0x3FAE]  }
0x2a: {  	p0 =	seq.s32 s5, $0x0;
	s5 =	sld [smem:$0x3FAF]  }
0x2b: {  	s6 =	sld [smem:$0x3FB0]  }
0x2c: {  	s7 =	sld [smem:$0x3FB1]  }
0x2d: {  	s3 =	simm.s32 $0x108;
	s8 =	sld [smem:$0x3FB2]  }
0x2e: {  	s3 =	simm.s32 @!p0 $0x1082;
	s9 =	sld [smem:$0x3FB3]  }
0x2f: {  	lr =	sadd.s32 s0, s3;
	s0 =	sld [smem:$0x3FAA]  }
0x30: {  	s3 =	sld [smem:$0x3FAD]  }
0x31: {  	[smem:$0x3FB6] =	sst s10  }
0x32: {  	s10 =	sld [smem:$0x3FB4];
	_ =	sdelay $0x3  }
0x33: {  	p0 =	seq.s32 s10, $0x1;
	s10 =	sld [smem:$0x3FB6];
	_ =	sdelay $0x3  }
0x34: {  	[smem:$0x3FB6] =	sst s10  }
0x35: {  	s10 =	sld [smem:$0x3FB5];
	_ =	sdelay $0x3  }
0x36: {  	p1 =	seq.s32 s10, $0x1;
	s10 =	sld [smem:$0x3FB6];
	_ =	sdelay $0x3  }
0x37: {  	[smem:$0x3FB6] =	sst s10  }
0x38: {  	s10 =	sld [smem:$0x3FB7]  }
0x39: {  	_ = 	snop;
	(pc) =	sbr.ind lr, $3  }
0x3a: {  	_ = 	snop  }
0x3b: {  	_ = 	snop  }
0x3c: {  	p2 =	seq.s32 s10, $0x1;
	s10 =	sld [smem:$0x3FB6]  }
0x3d: {  	_ =	shalt  }
0x3e: {  	_ =	shalt  }
0x3f: {  	_ =	shalt  }
0x40: {  	_ =	shalt  }
0x41: {  	_ =	shalt  }
0x42: {  	_ =	shalt  }
0x43: {  	_ =	shalt  }
0x44: {  	_ =	shalt  }
0x45: {  	_ =	shalt  }
0x46: {  	_ =	shalt  }
0x47: {  	_ =	shalt  }
0x48: {  	_ =	shalt  }
0x49: {  	_ =	shalt  }
0x4a: {  	_ =	shalt  }
0x4b: {  	_ =	shalt  }
0x4c: {  	_ =	shalt  }
0x4d: {  	_ =	shalt  }
0x4e: {  	_ =	shalt  }
0x4f: {  	_ =	shalt  }
0x50: {  	_ =	shalt  }
0x51: {  	_ =	shalt  }
0x52: {  	_ =	shalt  }
0x53: {  	_ =	shalt  }
0x54: {  	_ =	shalt  }
0x55: {  	_ =	shalt  }
0x56: {  	_ =	shalt  }
0x57: {  	_ =	shalt  }
0x58: {  	_ =	shalt  }
0x59: {  	_ =	shalt  }
0x5a: {  	_ =	shalt  }
0x5b: {  	_ =	shalt  }
0x5c: {  	_ =	shalt  }
0x5d: {  	_ =	shalt  }
0x5e: {  	_ =	shalt  }
0x5f: {  	_ =	shalt  }
0x60: {  	_ =	shalt  }
0x61: {  	_ =	shalt  }
0x62: {  	_ =	shalt  }
0x63: {  	_ =	shalt  }
0x64: {  	_ =	shalt  }
0x65: {  	_ =	shalt  }
0x66: {  	_ =	shalt  }
0x67: {  	_ =	shalt  }
0x68: {  	_ =	shalt  }
0x69: {  	_ =	shalt  }
0x6a: {  	_ =	shalt  }
0x6b: {  	_ =	shalt  }
0x6c: {  	_ =	shalt  }
0x6d: {  	_ =	shalt  }
0x6e: {  	_ =	shalt  }
0x6f: {  	_ =	shalt  }
0x70: {  	_ =	shalt  }
0x71: {  	_ =	shalt  }
0x72: {  	_ =	shalt  }
0x73: {  	_ =	shalt  }
0x74: {  	_ =	shalt  }
0x75: {  	_ =	shalt  }
0x76: {  	_ =	shalt  }
0x77: {  	_ =	shalt  }
0x78: {  	_ =	shalt  }
0x79: {  	_ =	shalt  }
0x7a: {  	_ =	shalt  }
0x7b: {  	_ =	shalt  }
0x7c: {  	_ =	shalt  }
0x7d: {  	_ =	shalt  }
0x7e: {  	_ =	shalt  }
0x7f: {  	_ =	shalt  }
0x80: {  	_ =	shalt  }
0x81: {  	_ =	shalt  }
0x82: {  	_ =	shalt  }
0x83: {  	_ =	shalt  }
0x84: {  	_ =	shalt  }
0x85: {  	_ =	shalt  }
0x86: {  	_ =	shalt  }
0x87: {  	_ =	shalt  }
.Lfunc_end0:
.L_simem_size_0:
called_computation_lowered:
.L_overlay_start_0:
0x88: {  	s2 =	sld [smem:$0x3FD9]  }
0x89: {  	s3 =	sld [smem:$0x3FFE];
	_ =	sdelay $0x1  }
0x8a: {  	s1 =	srdreg.scid  }
0x8b: {  	s0 =	sand.u32 $0x1, s1  }
0x8c: {  	s17 =	sshll.u32 s0, $0xA;
	s2 =	sadd.s32 s3, s2  }
0x8d: {  	s2 =	sadd.s32 s2, s17  }
0x8e: {  	[smem:$0x3FC2] =	sst s2  }
0x8f: {  	_ = 	snop  }
0x90: {  	s2 =	sld [smem:$0x3FD0];
	(tm) =	ssettm $0x1  }
0x91: {  	s18 =	sld [smem:$0x3FFB];
	_ =	sdelay $0x3  }
0x92: {  	_ =	strace s18  }
0x93: {  	s3 =	sld [smem:$0x3FFC];
	_ =	sdelay $0x3  }
0x94: {  	_ =	strace s3  }
0x95: {  	s3 =	sld [smem:$0x3FFD];
	_ =	sdelay $0x3  }
0x96: {  	_ =	strace s3  }
0x97: {  	_ =	strace $0x8FFFFFFF  }
0x98: {  	s19 =	sld [smem:$0x3FDB];
	_ =	sdelay $0x1  }
0x99: {  	s4 =	simm.s32 $_scs_section_size  }
0x9a: {  	s5 =	simm.s32 $_size__tile_overlayer_lowered;
	s6 =	simm.s32 $_tile_overlayer_lowered  }
0x9b: {  	s22 =	simm.s32 $0x1BFF;
	s21 =	sshll.u32 s6, $0x1;
	s3 =	sadd.s32 s4, s19  }
0x9c: {  	s7 =	simm.s32 $0x0;
	s20 =	sshll.u32 s5, $0x1;
	s5 =	sadd.s32 s21, s3  }
0x9d: {  	[timem:s7], [sflag:s22] =	dma.local [hbm:s5], s20  }
0x9e: {  	_ =	swait.ge [sflag:s22], s20  }
0x9f: {  	s4 =	ssub.s32 $0x0, s20;
	[sflag:s22] =	ssyncset.done $0x0  }
0xa0: {  	[sflag:s22] =	ssyncadd.s32 s4;
	_ =	sdelay $0x1  }
0xa1: {  	s23 =	simm.s32 $0x1B8B  }
0xa2: {  	_ =	swait.ge [sflag:s23], $0x1  }
0xa3: {  	[sflag:s23] =	ssyncset.done $0x0  }
0xa4: {  	s25 =	simm.s32 $0x1B8E;
	s24 =	sld [smem:$0x3FFE];
	[sflag:s23] =	ssyncadd.s32 $0xFFFFFFFF  }
0xa5: {  	s26 =	simm.s32 $execute0_lowered;
	[smem:$0x3FD2] =	sst s25  }
0xa6: {  	s5 =	sshll.u32 s26, $0x1;
	_ =	strace $0x80000046;
	[dreg:$0x1] =	wrdreg $0xFFFFFFFF  }
0xa7: {  	s28 =	simm.s32 $_size_execute0_lowered;
	s3 =	sadd.s32 s3, s5;
	[dreg:$0x0] =	wrdreg $0x0  }
0xa8: {  	s5 =	sshll.u32 s28, $0x1;
	[dreg:$0x2] =	wrdreg s3  }
0xa9: {  	[dreg:$0x3] =	wrdreg s5  }
0xaa: {  	[dreg:$0x4] =	wrdreg $0xC0  }
0xab: {  	_ =	task [dreg:s7], $0x5FFFF  }
0xac: {  	[dreg:$0x1] =	wrdreg $0xFFFFFFFF  }
0xad: {  	[dreg:$0x0] =	wrdreg $0x60  }
0xae: {  	[dreg:$0x2] =	wrdreg s24  }
0xaf: {  	[dreg:$0x3] =	wrdreg s2  }
0xb0: {  	[dreg:$0x4] =	wrdreg $0x9  }
0xb1: {  	_ =	task.clear_ibuf [dreg:s7], $0x5FFFF;
	_ =	strace $0x90000046  }
0xb2: {  	s29 =	simm.s32 $0x9;
	_ =	strace $0x80000048  }
0xb3: {  	_ =	swait.ge [sflag:s29], $0x1  }
0xb4: {  	[sflag:s29] =	ssyncadd.s32 $0xFFFFFFFF  }
0xb5: {  	_ =	strace $0x90000048  }
0xb6: {  	_ =	sfence  }
0xb7: {  	s30 =	sld [smem:$0x0];
	_ =	sdelay $0x2  }
0xb8: {  	s31 =	sshll.u32 s1, $0xD;
	s1 =	sshrl.u32 s1, $0x2  }
0xb9: {  	s3 =	sand.u32 $0x4000, s31;
	s1 =	sadd.s32 s1, s30  }
0xba: {  	s0 =	sor.u32 s3, s0;
	s1 =	sshll.u32 s1, $0x11  }
0xbb: {  	s0 =	sor.u32 s1, s0  }
0xbc: {  	s0 =	sadd.s32 $0x8F2B, s0  }
0xbd: {  	[sflag:s0] =	ssyncadd.remote.s32 $0x1  }
0xbe: {  	_ =	sfence.sel $0xFFFF  }
0xbf: {  	[dreg:$0x0] =	wrdreg $0xFFFFFFFF;
	(pc) =	sbr.abs _section_cstart, $3  }
0xc0: {  	[dreg:$0x1] =	wrdreg $0xFFFFFFFF  }
0xc1: {  	_ =	task.clear_ibuf [dreg:s7], $0x2FFFF;
	_ =	strace $0x9FFFFFFF  }
0xc2: {  	(tm) =	ssettm $0x7FFFFFFF  }
0xc3: {  	_ =	shalt  }
tec
execute0_lowered:
.L_overlay_start_1:
0x0: {  	(tag) =	ssettag $0x1  }
0x1: {  	s0 =	srdreg.scid;
	s3 =	rddreg [dreg:$0x0]  }
0x2: {  	s5 =	rddreg [dreg:$0x1];
	s4 =	sand.u32 $0x1, s0  }
0x3: {  	s1 =	stileid.u32;
	s8 =	simm.s32 $0x0;
	s2 =	sshll.u32 s4, $0x4  }
0x4: {  	s4 =	ssub.s32 $0x2, s4;
	s6 =	sor.u32 s1, s2;
	s2 =	simm.s32 $0x0  }
0x5: {  	s7 =	sshrl.u32 s4, $0x1;
	s6 =	smul.u32 $0x4E2, s6;
	[smem:$0x7FF] =	sst s2  }
0x6: {  	s0 =	rddreg [dreg:$0x2];
	s7 =	ssub.s32 s4, s7;
	_ =	strace $0x80000047  }
0x7: {  	s3 =	sadd.s32 s6, s3;
	s4 =	sadd.s32 s5, s6;
	s5 =	smax.u32 s7, $0x1  }
0x8: {  	v0 =	vimm.f32 $0.0e+00;
	v1 =	vimm.f32 $1.000000000e+00;
	s6 =	simm.s32 $0x1;
	s7 =	simm.s32 $0x2780;
	s3 =	sadd.s32 $0xB800, s3  }
.LBB2_1:
0x9: {  	[tilespmem:s2], [sflag:$0x1] =	stream.linear.gather [hbm4b:s3+s2], $0x2710, $0x38;
	[tilespmem:$0x4F00] =	vst v63  }
0xa: {  	_ =	swait.ge [sflag:s6], $0x2710  }
0xb: {  	[sflag:s6] =	ssyncset.done $0x0  }
0xc: {  	s9 =	simm.s32 $0x0;
	[sflag:s6] =	ssyncadd.s32 $0xFFFFD8F0  }
.LBB2_2:
0xd: {  	p0 =	sne.s32 s9, $0x9C00  }
.Ltmp0:
0xe: {  	_ = 	snop;
	(pc) =	sbr.rel @p0 .LBB2_2-.Ltmp0, $3  }
0xf: {  	_ =	sdelay $0x1  }
0x10: {  	s10 =	sshra.s32 s9, $0x2  }
0x11: {  	s9 =	sadd.s32 $0x40, s9;
	[tilespmem:s10+$0x2780] =	vst v0  }
0x12: {  	s10 =	simm.s32 $0x0;
	s9 =	simm.s32 $0x40  }
.LBB2_4:
0x13: {  	p0 =	sne.s32 s9, $0x9C00;
	v2 =	vld [tilespmem:s10+$0x0];
	_ =	sdelay $0x3  }
.Ltmp1:
0x14: {  	(pc) =	sbr.rel @p0 .LBB2_4-.Ltmp1, $2  }
0x15: {  	_ =	sdelay $0x2  }
0x16: {  	s10 =	sshra.s32 s9, $0x2;
	s9 =	sadd.s32 $0x40, s9;
	[tilespmem:v2+s7+$0x0] =	vst.idx.add.f32.msk $0xffff, v1  }
0x17: {  	v2 =	vld [tilespmem:s10+$0x0];
	_ =	sdelay $0x5  }
0x18: {  	s8 =	sadd.s32 $0x1, s8  }
0x19: {  	p0 =	sne.s32 s8, s5  }
.Ltmp2:
0x1a: {  	[tilespmem:v2+s7+$0x0] =	vst.idx.add.f32.msk $0xffff, v1;
	(pc) =	sbr.rel @p0 .LBB2_1-.Ltmp2, $4  }
0x1b: {  	[hbm4b:s4+s2] =	stream.linear.scatter [tilespmem:s7], [sflag:$0x1], $0x2710, $0x38;
	[tilespmem:$0x4F00] =	vst v63  }
0x1c: {  	_ =	swait.ge [sflag:s6], $0x2710  }
0x1d: {  	[sflag:s6] =	ssyncset.done $0x0  }
0x1e: {  	[sflag:s6] =	ssyncadd.s32 $0xFFFFD8F0  }
0x1f: {  	_ =	sfence.sel $0x180000  }
0x20: {  	[bflag:$0x0] =	sbarrier.arrive $0xFFFF  }
0x21: {  	p0 =	sne.s32 s1, $0x0;
	_ =	strace $0x90000047  }
0x22: {  	s0 =	sadd.s32 @!p0 $0x100000, s0;
	[bflag:$0x2] =	sbarrier.arrive $0xFFFF  }
0x23: {  	[sflag:s0] =	ssyncadd.tile.s32 @!p0 $0x1;
	_ =	shalt  }
.Lfunc_end2:
_tile_overlayer_lowered:
.L_overlay_start_2:
0x24: {  	(tag) =	ssettag $0x2  }
0x25: {  	s0 =	rddreg [dreg:$0x0];
	s2 =	stileid.u32  }
0x26: {  	s1 =	rddreg [dreg:$0x1];
	p0 =	sne.s32 s2, $0x0  }
0x27: {  	s3 =	rddreg [dreg:$0x2];
	[bflag:$0x3] =	sbarrier.arrive $0xFFFF;
	s2 =	simm.s32 @!p0 $0x1C01  }
0x28: {  	[timem:s3], [sflag:s2] =	dma.local @!p0 [hbm:s0], s1  }
0x29: {  	s0 =	simm.s32 @!p0 $0x1  }
0x2a: {  	_ =	swait.ge @!p0 [sflag:s0], s1  }
0x2b: {  	s1 =	ssub.s32 @!p0 $0x0, s1;
	[sflag:s0] =	ssyncset.done @!p0 $0x0  }
0x2c: {  	[sflag:s0] =	ssyncadd.s32 @!p0 s1  }
0x2d: {  	[bflag:$0x3] =	sbarrier.arrive $0xFFFF  }
0x2e: {  	_ =	shalt  }

</sc_bundles>
